<compile_context>
chip_gen: v7x
topology: tpu7x:2x2x1
jax: 0.10.2.dev20260603
libtpu: 0.0.44.dev20260713+nightly
codegen_flags: <defaults>
</compile_context>

<pallas_src>
import functools

import jax
import jax.numpy as jnp
from jax import lax
from jax.experimental import pallas as pl
from jax.experimental.pallas import tpu as pltpu
from jax.experimental.pallas import tpu_sc as plsc

_VOCAB = 1000000
_D = 64
_MAX_WAVELENGTH = 10000.0
_B = 1024
_L = 200
_TOTAL = _B * _L

_NC = 2
_NS = 16
_NW = _NC * _NS
_PER_W = _TOTAL // _NW
_SUB = 100
_IDX_ROWS_PER_W = _PER_W // _SUB
_NBUF = 8
_DEPTH = 7


def _enc_body(out_ref):
    pos = lax.broadcasted_iota(jnp.int32, (_L, _D), 0).astype(jnp.float32)
    i = lax.broadcasted_iota(jnp.int32, (_L, _D), 1)
    expo = (2 * (i // 2)).astype(jnp.float32) * (1.0 / _D)
    timescales = jnp.exp(expo * jnp.log(jnp.float32(1.0 / _MAX_WAVELENGTH)))
    angles = pos * timescales
    odd = (i % 2).astype(jnp.float32)
    out_ref[...] = jnp.sin(angles) * (1.0 - odd) + jnp.cos(angles) * odd


def _make_enc():
    return pl.pallas_call(
        _enc_body,
        out_shape=jax.ShapeDtypeStruct((_L, _D), jnp.float32),
    )()


def _sc_body(idx_hbm, table_hbm, enc_hbm, out_hbm,
             idx_v, enc_v, rows_v, sem, wb_sem):
    wid = lax.axis_index("s") * _NC + lax.axis_index("c")
    idx_row0 = wid * _IDX_ROWS_PER_W
    out_base = wid * (_PER_W // _L)

    pltpu.sync_copy(idx_hbm.at[pl.ds(idx_row0, _IDX_ROWS_PER_W)], idx_v)
    pltpu.sync_copy(enc_hbm, enc_v)

    for g in range(_DEPTH):
        pltpu.async_copy(table_hbm.at[idx_v.at[g]],
                         rows_v.at[pl.ds(g * _SUB, _SUB)], sem)

    @pl.loop(0, _IDX_ROWS_PER_W)
    def _step(g):
        row0 = lax.rem(g, _NBUF) * _SUB
        pltpu.make_async_copy(table_hbm.at[idx_v.at[g]],
                              rows_v.at[pl.ds(row0, _SUB)], sem).wait()

        ph = lax.rem(g, _L // _SUB) * _SUB

        @pl.loop(0, _SUB, unroll=4)
        def _add(r):
            for d in range(_D // 16):
                plsc.addupdate(rows_v.at[row0 + r, pl.ds(d * 16, 16)],
                               enc_v[ph + r, pl.ds(d * 16, 16)])

        brow = out_base + lax.div(g, _L // _SUB)
        pltpu.async_copy(rows_v.at[pl.ds(row0, _SUB), pl.ds(0, _D)],
                         out_hbm.at[brow, pl.ds(ph, _SUB)], wb_sem)

        @pl.when(g > 0)
        def _drain_wb():
            pltpu.make_async_copy(rows_v.at[pl.ds(0, _SUB), pl.ds(0, _D)],
                                  out_hbm.at[0, pl.ds(0, _SUB)],
                                  wb_sem).wait()

        @pl.when(g < _IDX_ROWS_PER_W - _DEPTH)
        def _refill():
            pltpu.async_copy(table_hbm.at[idx_v.at[g + _DEPTH]],
                             rows_v.at[pl.ds(lax.rem(g + _DEPTH, _NBUF) * _SUB,
                                             _SUB)], sem)

    pltpu.make_async_copy(rows_v.at[pl.ds(0, _SUB), pl.ds(0, _D)],
                          out_hbm.at[0, pl.ds(0, _SUB)], wb_sem).wait()


_sc_gather = functools.partial(
    pl.kernel,
    out_type=jax.ShapeDtypeStruct((_B, _L, _D), jnp.float32),
    mesh=plsc.VectorSubcoreMesh(core_axis_name="c", subcore_axis_name="s"),
    scratch_types=[
        pltpu.VMEM((_IDX_ROWS_PER_W, _SUB), jnp.int32),
        pltpu.VMEM((_L, _D), jnp.float32),
        pltpu.VMEM((_NBUF * _SUB, 2 * _D), jnp.float32),
        pltpu.SemaphoreType.DMA,
        pltpu.SemaphoreType.DMA,
    ],
    compiler_params=pltpu.CompilerParams(use_tc_tiling_on_sc=False),
)(_sc_body)


def kernel(inputs, table):
    idx2d = inputs.reshape(_TOTAL // _SUB, _SUB).astype(jnp.int32)
    enc = _make_enc()
    table_p = jnp.pad(table, ((0, 0), (0, _D)))
    return _sc_gather(idx2d, table_p, enc)

# --- scband reference (transcript-rebuilt; emitter-appended) ---
"""Pipeline reference for scband-token-and-position-encoding-16286515986729 (READ-ONLY COPY).

The authoritative reference and input builder live on the scoring server;
editing this copy changes nothing except your own understanding.
"""

import jax, jax.numpy as jnp
import numpy as np

VOCAB = 1000000
EMBED_DIM = 64
MAX_WAVELENGTH = 10000

def setup_inputs(seed: int = 0) -> dict:
    key = jax.random.key(seed)
    k1, k2 = jax.random.split(key)
    inputs = jax.random.randint(k1, (1024, 200), 0, VOCAB, dtype=jnp.int64 if jax.config.jax_enable_x64 else jnp.int32)
    # Keras Embedding default 'uniform' initializer: U(-0.05, 0.05)
    table = jax.random.uniform(k2, (VOCAB, EMBED_DIM), dtype=jnp.float32, minval=-0.05, maxval=0.05)
    return {"inputs": inputs, "table": table}

def _positional_encoding(seq_len, d, dtype=jnp.float32):
    i = jnp.arange(d)
    timescales = jnp.power(jnp.asarray(1.0 / MAX_WAVELENGTH, dtype=dtype), (2 * (i // 2)).astype(dtype) / jnp.asarray(d, dtype=dtype))
    positions_mask = (i % 2).astype(dtype)
    positions = jnp.arange(seq_len).astype(dtype)
    angles = positions[:, None] * timescales[None, :]
    encoding = jnp.sin(angles) * (1.0 - positions_mask) + jnp.cos(angles) * positions_mask
    return encoding

def reference(inputs, table):
    x = jnp.take(table, inputs, axis=0)  # embedding lookup [B, L, D]
    enc = _positional_encoding(x.shape[-2], x.shape[-1], x.dtype)  # [L, D]
    out = x + jnp.broadcast_to(enc, x.shape)
    return out

if __name__ == "__main__":
    import jax
    _d = setup_inputs()
    print(jax.jit(kernel)(*tuple(_d.values())))

</pallas_src>

<mosaic_0001>
#map = affine_map<(d0, d1) -> (0, 0)>
#map1 = affine_map<(d0, d1) -> (0, 0, 0)>
module attributes {stable_mosaic.version = 14 : i64} {
  func.func @_sc_body(%arg0: i32, %arg1: i32, %arg2: memref<2048x100xi32, #tpu.memory_space<hbm>>, %arg3: memref<1000000x128xf32, #tpu.memory_space<hbm>>, %arg4: memref<200x64xf32, #tpu.memory_space<hbm>>, %arg5: memref<1024x200x64xf32, #tpu.memory_space<hbm>>, %arg6: memref<64x100xi32, #tpu.memory_space<vmem>>, %arg7: memref<200x64xf32, #tpu.memory_space<vmem>>, %arg8: memref<800x128xf32, #tpu.memory_space<vmem>>, %arg9: memref<!tpu.dma_semaphore, #tpu.memory_space<semaphore_mem>>, %arg10: memref<!tpu.dma_semaphore, #tpu.memory_space<semaphore_mem>>) attributes {dimension_semantics = [#tpu.dimension_semantics<core_parallel>, #tpu.dimension_semantics<subcore_parallel>], iteration_bounds = array<i64: 2, 16>, scalar_prefetch = 0 : i64, scratch_operands = 5 : i64, tpu.core_type = #tpu.core_type<sc_vector_subcore>, window_params = [{transform_indices = #map}, {transform_indices = #map}, {transform_indices = #map}, {transform_indices = #map1}]} {
    %mul3A = arith.constant 2 : i32
    %mul3A_0 = arith.muli %arg1, %mul3A : i32
    %add3A = arith.addi %mul3A_0, %arg0 : i32
    %mul3A_1 = arith.constant 64 : i32
    %mul3A_2 = arith.muli %add3A, %mul3A_1 : i32
    %mul3A_3 = arith.constant 32 : i32
    %mul3A_4 = arith.muli %add3A, %mul3A_3 : i32
    "tpu.region"() ({
      %run_scoped3A = tpu.sem_alloc : memref<!tpu.dma_semaphore, #tpu.memory_space<semaphore_mem>>
      %dma_start3A_92 = arith.constant 0 : i32
      %dma_start3A_93 = tpu.memref_slice %arg2[%mul3A_2, %dma_start3A_92] : memref<2048x100xi32, #tpu.memory_space<hbm>> -> memref<64x100xi32, #tpu.memory_space<hbm>>
      %dma_start3A_94 = arith.constant 0 : i32
      %dma_start3A_95 = tpu.memref_slice %arg2[%mul3A_2, %dma_start3A_94] : memref<2048x100xi32, #tpu.memory_space<hbm>> -> memref<64x100xi32, #tpu.memory_space<hbm>>
      tpu.enqueue_dma source(%dma_start3A_95 : memref<64x100xi32, #tpu.memory_space<hbm>>) target(%arg6 : memref<64x100xi32, #tpu.memory_space<vmem>>) target_semaphore(%run_scoped3A : memref<!tpu.dma_semaphore, #tpu.memory_space<semaphore_mem>>)
      %dma_wait3A_96 = arith.constant 0 : i32
      %dma_wait3A_97 = tpu.memref_slice %arg2[%mul3A_2, %dma_wait3A_96] : memref<2048x100xi32, #tpu.memory_space<hbm>> -> memref<64x100xi32, #tpu.memory_space<hbm>>
      %dma_wait3A_98 = arith.constant 0 : i32
      %dma_wait3A_99 = tpu.memref_slice %arg2[%mul3A_2, %dma_wait3A_98] : memref<2048x100xi32, #tpu.memory_space<hbm>> -> memref<64x100xi32, #tpu.memory_space<hbm>>
      tpu.wait_dma2 semaphore(%run_scoped3A : memref<!tpu.dma_semaphore, #tpu.memory_space<semaphore_mem>>) src(%dma_wait3A_99 : memref<64x100xi32, #tpu.memory_space<hbm>>) dst(%arg6 : memref<64x100xi32, #tpu.memory_space<vmem>>)
      tpu.yield
    }) : () -> ()
    "tpu.region"() ({
      %run_scoped3A = tpu.sem_alloc : memref<!tpu.dma_semaphore, #tpu.memory_space<semaphore_mem>>
      tpu.enqueue_dma source(%arg4 : memref<200x64xf32, #tpu.memory_space<hbm>>) target(%arg7 : memref<200x64xf32, #tpu.memory_space<vmem>>) target_semaphore(%run_scoped3A : memref<!tpu.dma_semaphore, #tpu.memory_space<semaphore_mem>>)
      tpu.wait_dma2 semaphore(%run_scoped3A : memref<!tpu.dma_semaphore, #tpu.memory_space<semaphore_mem>>) src(%arg4 : memref<200x64xf32, #tpu.memory_space<hbm>>) dst(%arg7 : memref<200x64xf32, #tpu.memory_space<vmem>>)
      tpu.yield
    }) : () -> ()
    %dma_start3A = arith.constant 0 : i32
    %dma_start3A_5 = arith.constant 0 : i32
    %dma_start3A_6 = arith.constant 0 : i32
    %dma_start3A_7 = tpu.memref_slice %arg8[%dma_start3A_5, %dma_start3A_6] : memref<800x128xf32, #tpu.memory_space<vmem>> -> memref<100x128xf32, #tpu.memory_space<vmem>>
    %dma_start3A_8 = arith.constant 0 : i32
    %dma_start3A_9 = tpu.memref_slice %arg6[%dma_start3A, %dma_start3A_8] : memref<64x100xi32, #tpu.memory_space<vmem>> -> memref<1x100xi32, #tpu.memory_space<vmem>>
    %dma_start3A_10 = tpu.memref_squeeze %dma_start3A_9 : memref<1x100xi32, #tpu.memory_space<vmem>> -> memref<100xi32, #tpu.memory_space<vmem>>
    %dma_start3A_11 = arith.constant 0 : i32
    %dma_start3A_12 = arith.constant 0 : i32
    %dma_start3A_13 = tpu.memref_slice %arg3[%dma_start3A_11, %dma_start3A_12] : memref<1000000x128xf32, #tpu.memory_space<hbm>> -> memref<1000000x128xf32, #tpu.memory_space<hbm>>
    tpu.enqueue_indirect_dma source(%dma_start3A_13 : memref<1000000x128xf32, #tpu.memory_space<hbm>>) target(%dma_start3A_7 : memref<100x128xf32, #tpu.memory_space<vmem>>) offsets(%dma_start3A_10 : memref<100xi32, #tpu.memory_space<vmem>>) semaphore(%arg9 : memref<!tpu.dma_semaphore, #tpu.memory_space<semaphore_mem>>)
    %dma_start3A_14 = arith.constant 1 : i32
    %dma_start3A_15 = arith.constant 100 : i32
    %dma_start3A_16 = arith.constant 0 : i32
    %dma_start3A_17 = tpu.memref_slice %arg8[%dma_start3A_15, %dma_start3A_16] : memref<800x128xf32, #tpu.memory_space<vmem>> -> memref<100x128xf32, #tpu.memory_space<vmem>>
    %dma_start3A_18 = arith.constant 0 : i32
    %dma_start3A_19 = tpu.memref_slice %arg6[%dma_start3A_14, %dma_start3A_18] : memref<64x100xi32, #tpu.memory_space<vmem>> -> memref<1x100xi32, #tpu.memory_space<vmem>>
    %dma_start3A_20 = tpu.memref_squeeze %dma_start3A_19 : memref<1x100xi32, #tpu.memory_space<vmem>> -> memref<100xi32, #tpu.memory_space<vmem>>
    %dma_start3A_21 = arith.constant 0 : i32
    %dma_start3A_22 = arith.constant 0 : i32
    %dma_start3A_23 = tpu.memref_slice %arg3[%dma_start3A_21, %dma_start3A_22] : memref<1000000x128xf32, #tpu.memory_space<hbm>> -> memref<1000000x128xf32, #tpu.memory_space<hbm>>
    tpu.enqueue_indirect_dma source(%dma_start3A_23 : memref<1000000x128xf32, #tpu.memory_space<hbm>>) target(%dma_start3A_17 : memref<100x128xf32, #tpu.memory_space<vmem>>) offsets(%dma_start3A_20 : memref<100xi32, #tpu.memory_space<vmem>>) semaphore(%arg9 : memref<!tpu.dma_semaphore, #tpu.memory_space<semaphore_mem>>)
    %dma_start3A_24 = arith.constant 2 : i32
    %dma_start3A_25 = arith.constant 200 : i32
    %dma_start3A_26 = arith.constant 0 : i32
    %dma_start3A_27 = tpu.memref_slice %arg8[%dma_start3A_25, %dma_start3A_26] : memref<800x128xf32, #tpu.memory_space<vmem>> -> memref<100x128xf32, #tpu.memory_space<vmem>>
    %dma_start3A_28 = arith.constant 0 : i32
    %dma_start3A_29 = tpu.memref_slice %arg6[%dma_start3A_24, %dma_start3A_28] : memref<64x100xi32, #tpu.memory_space<vmem>> -> memref<1x100xi32, #tpu.memory_space<vmem>>
    %dma_start3A_30 = tpu.memref_squeeze %dma_start3A_29 : memref<1x100xi32, #tpu.memory_space<vmem>> -> memref<100xi32, #tpu.memory_space<vmem>>
    %dma_start3A_31 = arith.constant 0 : i32
    %dma_start3A_32 = arith.constant 0 : i32
    %dma_start3A_33 = tpu.memref_slice %arg3[%dma_start3A_31, %dma_start3A_32] : memref<1000000x128xf32, #tpu.memory_space<hbm>> -> memref<1000000x128xf32, #tpu.memory_space<hbm>>
    tpu.enqueue_indirect_dma source(%dma_start3A_33 : memref<1000000x128xf32, #tpu.memory_space<hbm>>) target(%dma_start3A_27 : memref<100x128xf32, #tpu.memory_space<vmem>>) offsets(%dma_start3A_30 : memref<100xi32, #tpu.memory_space<vmem>>) semaphore(%arg9 : memref<!tpu.dma_semaphore, #tpu.memory_space<semaphore_mem>>)
    %dma_start3A_34 = arith.constant 3 : i32
    %dma_start3A_35 = arith.constant 300 : i32
    %dma_start3A_36 = arith.constant 0 : i32
    %dma_start3A_37 = tpu.memref_slice %arg8[%dma_start3A_35, %dma_start3A_36] : memref<800x128xf32, #tpu.memory_space<vmem>> -> memref<100x128xf32, #tpu.memory_space<vmem>>
    %dma_start3A_38 = arith.constant 0 : i32
    %dma_start3A_39 = tpu.memref_slice %arg6[%dma_start3A_34, %dma_start3A_38] : memref<64x100xi32, #tpu.memory_space<vmem>> -> memref<1x100xi32, #tpu.memory_space<vmem>>
    %dma_start3A_40 = tpu.memref_squeeze %dma_start3A_39 : memref<1x100xi32, #tpu.memory_space<vmem>> -> memref<100xi32, #tpu.memory_space<vmem>>
    %dma_start3A_41 = arith.constant 0 : i32
    %dma_start3A_42 = arith.constant 0 : i32
    %dma_start3A_43 = tpu.memref_slice %arg3[%dma_start3A_41, %dma_start3A_42] : memref<1000000x128xf32, #tpu.memory_space<hbm>> -> memref<1000000x128xf32, #tpu.memory_space<hbm>>
    tpu.enqueue_indirect_dma source(%dma_start3A_43 : memref<1000000x128xf32, #tpu.memory_space<hbm>>) target(%dma_start3A_37 : memref<100x128xf32, #tpu.memory_space<vmem>>) offsets(%dma_start3A_40 : memref<100xi32, #tpu.memory_space<vmem>>) semaphore(%arg9 : memref<!tpu.dma_semaphore, #tpu.memory_space<semaphore_mem>>)
    %dma_start3A_44 = arith.constant 4 : i32
    %dma_start3A_45 = arith.constant 400 : i32
    %dma_start3A_46 = arith.constant 0 : i32
    %dma_start3A_47 = tpu.memref_slice %arg8[%dma_start3A_45, %dma_start3A_46] : memref<800x128xf32, #tpu.memory_space<vmem>> -> memref<100x128xf32, #tpu.memory_space<vmem>>
    %dma_start3A_48 = arith.constant 0 : i32
    %dma_start3A_49 = tpu.memref_slice %arg6[%dma_start3A_44, %dma_start3A_48] : memref<64x100xi32, #tpu.memory_space<vmem>> -> memref<1x100xi32, #tpu.memory_space<vmem>>
    %dma_start3A_50 = tpu.memref_squeeze %dma_start3A_49 : memref<1x100xi32, #tpu.memory_space<vmem>> -> memref<100xi32, #tpu.memory_space<vmem>>
    %dma_start3A_51 = arith.constant 0 : i32
    %dma_start3A_52 = arith.constant 0 : i32
    %dma_start3A_53 = tpu.memref_slice %arg3[%dma_start3A_51, %dma_start3A_52] : memref<1000000x128xf32, #tpu.memory_space<hbm>> -> memref<1000000x128xf32, #tpu.memory_space<hbm>>
    tpu.enqueue_indirect_dma source(%dma_start3A_53 : memref<1000000x128xf32, #tpu.memory_space<hbm>>) target(%dma_start3A_47 : memref<100x128xf32, #tpu.memory_space<vmem>>) offsets(%dma_start3A_50 : memref<100xi32, #tpu.memory_space<vmem>>) semaphore(%arg9 : memref<!tpu.dma_semaphore, #tpu.memory_space<semaphore_mem>>)
    %dma_start3A_54 = arith.constant 5 : i32
    %dma_start3A_55 = arith.constant 500 : i32
    %dma_start3A_56 = arith.constant 0 : i32
    %dma_start3A_57 = tpu.memref_slice %arg8[%dma_start3A_55, %dma_start3A_56] : memref<800x128xf32, #tpu.memory_space<vmem>> -> memref<100x128xf32, #tpu.memory_space<vmem>>
    %dma_start3A_58 = arith.constant 0 : i32
    %dma_start3A_59 = tpu.memref_slice %arg6[%dma_start3A_54, %dma_start3A_58] : memref<64x100xi32, #tpu.memory_space<vmem>> -> memref<1x100xi32, #tpu.memory_space<vmem>>
    %dma_start3A_60 = tpu.memref_squeeze %dma_start3A_59 : memref<1x100xi32, #tpu.memory_space<vmem>> -> memref<100xi32, #tpu.memory_space<vmem>>
    %dma_start3A_61 = arith.constant 0 : i32
    %dma_start3A_62 = arith.constant 0 : i32
    %dma_start3A_63 = tpu.memref_slice %arg3[%dma_start3A_61, %dma_start3A_62] : memref<1000000x128xf32, #tpu.memory_space<hbm>> -> memref<1000000x128xf32, #tpu.memory_space<hbm>>
    tpu.enqueue_indirect_dma source(%dma_start3A_63 : memref<1000000x128xf32, #tpu.memory_space<hbm>>) target(%dma_start3A_57 : memref<100x128xf32, #tpu.memory_space<vmem>>) offsets(%dma_start3A_60 : memref<100xi32, #tpu.memory_space<vmem>>) semaphore(%arg9 : memref<!tpu.dma_semaphore, #tpu.memory_space<semaphore_mem>>)
    %dma_start3A_64 = arith.constant 6 : i32
    %dma_start3A_65 = arith.constant 600 : i32
    %dma_start3A_66 = arith.constant 0 : i32
    %dma_start3A_67 = tpu.memref_slice %arg8[%dma_start3A_65, %dma_start3A_66] : memref<800x128xf32, #tpu.memory_space<vmem>> -> memref<100x128xf32, #tpu.memory_space<vmem>>
    %dma_start3A_68 = arith.constant 0 : i32
    %dma_start3A_69 = tpu.memref_slice %arg6[%dma_start3A_64, %dma_start3A_68] : memref<64x100xi32, #tpu.memory_space<vmem>> -> memref<1x100xi32, #tpu.memory_space<vmem>>
    %dma_start3A_70 = tpu.memref_squeeze %dma_start3A_69 : memref<1x100xi32, #tpu.memory_space<vmem>> -> memref<100xi32, #tpu.memory_space<vmem>>
    %dma_start3A_71 = arith.constant 0 : i32
    %dma_start3A_72 = arith.constant 0 : i32
    %dma_start3A_73 = tpu.memref_slice %arg3[%dma_start3A_71, %dma_start3A_72] : memref<1000000x128xf32, #tpu.memory_space<hbm>> -> memref<1000000x128xf32, #tpu.memory_space<hbm>>
    tpu.enqueue_indirect_dma source(%dma_start3A_73 : memref<1000000x128xf32, #tpu.memory_space<hbm>>) target(%dma_start3A_67 : memref<100x128xf32, #tpu.memory_space<vmem>>) offsets(%dma_start3A_70 : memref<100xi32, #tpu.memory_space<vmem>>) semaphore(%arg9 : memref<!tpu.dma_semaphore, #tpu.memory_space<semaphore_mem>>)
    %scan3A = arith.constant 0 : i32
    %scan3A_74 = arith.constant 64 : i32
    %scan3A_75 = arith.addi %scan3A, %scan3A_74 : i32
    %scan3A_76 = arith.constant 1 : i32
    scf.for %scan3A_92 = %scan3A to %scan3A_75 step %scan3A_76  : i32 {
      %mul3A_93 = arith.constant 1 : i32
      %mul3A_94 = arith.muli %scan3A_92, %mul3A_93 : i32
      %add3A_95 = arith.constant 0 : i32
      %add3A_96 = arith.addi %add3A_95, %mul3A_94 : i32
      %rem3A = arith.constant 8 : i32
      %rem3A_97 = arith.remsi %add3A_96, %rem3A : i32
      %mul3A_98 = arith.constant 100 : i32
      %mul3A_99 = arith.muli %rem3A_97, %mul3A_98 : i32
      %dma_wait3A_100 = arith.constant 0 : i32
      %dma_wait3A_101 = tpu.memref_slice %arg8[%mul3A_99, %dma_wait3A_100] : memref<800x128xf32, #tpu.memory_space<vmem>> -> memref<100x128xf32, #tpu.memory_space<vmem>>
      %dma_wait3A_102 = arith.constant 0 : i32
      %dma_wait3A_103 = tpu.memref_slice %arg6[%add3A_96, %dma_wait3A_102] : memref<64x100xi32, #tpu.memory_space<vmem>> -> memref<1x100xi32, #tpu.memory_space<vmem>>
      %dma_wait3A_104 = tpu.memref_squeeze %dma_wait3A_103 : memref<1x100xi32, #tpu.memory_space<vmem>> -> memref<100xi32, #tpu.memory_space<vmem>>
      %dma_wait3A_105 = arith.constant 0 : i32
      %dma_wait3A_106 = arith.constant 0 : i32
      %dma_wait3A_107 = tpu.memref_slice %arg3[%dma_wait3A_105, %dma_wait3A_106] : memref<1000000x128xf32, #tpu.memory_space<hbm>> -> memref<1000000x128xf32, #tpu.memory_space<hbm>>
      tpu.wait_indirect_dma semaphore(%arg9 : memref<!tpu.dma_semaphore, #tpu.memory_space<semaphore_mem>>) src(%dma_wait3A_107 : memref<1000000x128xf32, #tpu.memory_space<hbm>>) dst(%dma_wait3A_101 : memref<100x128xf32, #tpu.memory_space<vmem>>)
      %rem3A_108 = arith.constant 2 : i32
      %rem3A_109 = arith.remsi %add3A_96, %rem3A_108 : i32
      %mul3A_110 = arith.constant 100 : i32
      %mul3A_111 = arith.muli %rem3A_109, %mul3A_110 : i32
      %scan3A_112 = arith.constant 0 : i32
      %scan3A_113 = arith.constant 100 : i32
      %scan3A_114 = arith.addi %scan3A_112, %scan3A_113 : i32
      %scan3A_115 = arith.constant 4 : i32
      scf.for %scan3A_135 = %scan3A_112 to %scan3A_114 step %scan3A_115  : i32 {
        %mul3A_136 = arith.constant 1 : i32
        %mul3A_137 = arith.muli %scan3A_135, %mul3A_136 : i32
        %add3A_138 = arith.constant 0 : i32
        %add3A_139 = arith.addi %add3A_138, %mul3A_137 : i32
        %add3A_140 = arith.addi %mul3A_99, %add3A_139 : i32
        %add3A_141 = arith.addi %mul3A_111, %add3A_139 : i32
        %get3A = arith.index_cast %add3A_141 : i32 to index
        %get3A_142 = arith.constant 0 : index
        %get3A_143 = tpu.vector_load %arg7[%get3A, %get3A_142] {strides = array<i32>} : memref<200x64xf32, #tpu.memory_space<vmem>>, vector<1x16xf32>,
        %get3A_144 = vector.shape_cast %get3A_143 : vector<1x16xf32> to vector<16xf32>
        %swap3A = arith.index_cast %add3A_140 : i32 to index
        %swap3A_145 = arith.constant 0 : index
        %swap3A_146 = tpu.vector_load %arg8[%swap3A, %swap3A_145] {strides = array<i32>} : memref<800x128xf32, #tpu.memory_space<vmem>>, vector<1x16xf32>,
        %swap3A_147 = vector.shape_cast %swap3A_146 : vector<1x16xf32> to vector<16xf32>
        %swap3A_148 = vector.shape_cast %get3A_144 : vector<16xf32> to vector<1x16xf32>
        tpu.vector_store %arg8[%swap3A, %swap3A_145], %swap3A_148 {add = true, strides = array<i32>} : memref<800x128xf32, #tpu.memory_space<vmem>>, vector<1x16xf32>,
        %add3A_149 = arith.addi %mul3A_99, %add3A_139 : i32
        %add3A_150 = arith.addi %mul3A_111, %add3A_139 : i32
        %get3A_151 = arith.index_cast %add3A_150 : i32 to index
        %get3A_152 = arith.constant 16 : index
        %get3A_153 = tpu.vector_load %arg7[%get3A_151, %get3A_152] {strides = array<i32>} : memref<200x64xf32, #tpu.memory_space<vmem>>, vector<1x16xf32>,
        %get3A_154 = vector.shape_cast %get3A_153 : vector<1x16xf32> to vector<16xf32>
        %swap3A_155 = arith.index_cast %add3A_149 : i32 to index
        %swap3A_156 = arith.constant 16 : index
        %swap3A_157 = tpu.vector_load %arg8[%swap3A_155, %swap3A_156] {strides = array<i32>} : memref<800x128xf32, #tpu.memory_space<vmem>>, vector<1x16xf32>,
        %swap3A_158 = vector.shape_cast %swap3A_157 : vector<1x16xf32> to vector<16xf32>
        %swap3A_159 = vector.shape_cast %get3A_154 : vector<16xf32> to vector<1x16xf32>
        tpu.vector_store %arg8[%swap3A_155, %swap3A_156], %swap3A_159 {add = true, strides = array<i32>} : memref<800x128xf32, #tpu.memory_space<vmem>>, vector<1x16xf32>,
        %add3A_160 = arith.addi %mul3A_99, %add3A_139 : i32
        %add3A_161 = arith.addi %mul3A_111, %add3A_139 : i32
        %get3A_162 = arith.index_cast %add3A_161 : i32 to index
        %get3A_163 = arith.constant 32 : index
        %get3A_164 = tpu.vector_load %arg7[%get3A_162, %get3A_163] {strides = array<i32>} : memref<200x64xf32, #tpu.memory_space<vmem>>, vector<1x16xf32>,
        %get3A_165 = vector.shape_cast %get3A_164 : vector<1x16xf32> to vector<16xf32>
        %swap3A_166 = arith.index_cast %add3A_160 : i32 to index
        %swap3A_167 = arith.constant 32 : index
        %swap3A_168 = tpu.vector_load %arg8[%swap3A_166, %swap3A_167] {strides = array<i32>} : memref<800x128xf32, #tpu.memory_space<vmem>>, vector<1x16xf32>,
        %swap3A_169 = vector.shape_cast %swap3A_168 : vector<1x16xf32> to vector<16xf32>
        %swap3A_170 = vector.shape_cast %get3A_165 : vector<16xf32> to vector<1x16xf32>
        tpu.vector_store %arg8[%swap3A_166, %swap3A_167], %swap3A_170 {add = true, strides = array<i32>} : memref<800x128xf32, #tpu.memory_space<vmem>>, vector<1x16xf32>,
        %add3A_171 = arith.addi %mul3A_99, %add3A_139 : i32
        %add3A_172 = arith.addi %mul3A_111, %add3A_139 : i32
        %get3A_173 = arith.index_cast %add3A_172 : i32 to index
        %get3A_174 = arith.constant 48 : index
        %get3A_175 = tpu.vector_load %arg7[%get3A_173, %get3A_174] {strides = array<i32>} : memref<200x64xf32, #tpu.memory_space<vmem>>, vector<1x16xf32>,
        %get3A_176 = vector.shape_cast %get3A_175 : vector<1x16xf32> to vector<16xf32>
        %swap3A_177 = arith.index_cast %add3A_171 : i32 to index
        %swap3A_178 = arith.constant 48 : index
        %swap3A_179 = tpu.vector_load %arg8[%swap3A_177, %swap3A_178] {strides = array<i32>} : memref<800x128xf32, #tpu.memory_space<vmem>>, vector<1x16xf32>,
        %swap3A_180 = vector.shape_cast %swap3A_179 : vector<1x16xf32> to vector<16xf32>
        %swap3A_181 = vector.shape_cast %get3A_176 : vector<16xf32> to vector<1x16xf32>
        tpu.vector_store %arg8[%swap3A_177, %swap3A_178], %swap3A_181 {add = true, strides = array<i32>} : memref<800x128xf32, #tpu.memory_space<vmem>>, vector<1x16xf32>,
        %scan3A_182 = arith.constant 1 : i32
        %scan3A_183 = arith.addi %scan3A_135, %scan3A_182 : i32
        %mul3A_184 = arith.constant 1 : i32
        %mul3A_185 = arith.muli %scan3A_183, %mul3A_184 : i32
        %add3A_186 = arith.constant 0 : i32
        %add3A_187 = arith.addi %add3A_186, %mul3A_185 : i32
        %add3A_188 = arith.addi %mul3A_99, %add3A_187 : i32
        %add3A_189 = arith.addi %mul3A_111, %add3A_187 : i32
        %get3A_190 = arith.index_cast %add3A_189 : i32 to index
        %get3A_191 = arith.constant 0 : index
        %get3A_192 = tpu.vector_load %arg7[%get3A_190, %get3A_191] {strides = array<i32>} : memref<200x64xf32, #tpu.memory_space<vmem>>, vector<1x16xf32>,
        %get3A_193 = vector.shape_cast %get3A_192 : vector<1x16xf32> to vector<16xf32>
        %swap3A_194 = arith.index_cast %add3A_188 : i32 to index
        %swap3A_195 = arith.constant 0 : index
        %swap3A_196 = tpu.vector_load %arg8[%swap3A_194, %swap3A_195] {strides = array<i32>} : memref<800x128xf32, #tpu.memory_space<vmem>>, vector<1x16xf32>,
        %swap3A_197 = vector.shape_cast %swap3A_196 : vector<1x16xf32> to vector<16xf32>
        %swap3A_198 = vector.shape_cast %get3A_193 : vector<16xf32> to vector<1x16xf32>
        tpu.vector_store %arg8[%swap3A_194, %swap3A_195], %swap3A_198 {add = true, strides = array<i32>} : memref<800x128xf32, #tpu.memory_space<vmem>>, vector<1x16xf32>,
        %add3A_199 = arith.addi %mul3A_99, %add3A_187 : i32
        %add3A_200 = arith.addi %mul3A_111, %add3A_187 : i32
        %get3A_201 = arith.index_cast %add3A_200 : i32 to index
        %get3A_202 = arith.constant 16 : index
        %get3A_203 = tpu.vector_load %arg7[%get3A_201, %get3A_202] {strides = array<i32>} : memref<200x64xf32, #tpu.memory_space<vmem>>, vector<1x16xf32>,
        %get3A_204 = vector.shape_cast %get3A_203 : vector<1x16xf32> to vector<16xf32>
        %swap3A_205 = arith.index_cast %add3A_199 : i32 to index
        %swap3A_206 = arith.constant 16 : index
        %swap3A_207 = tpu.vector_load %arg8[%swap3A_205, %swap3A_206] {strides = array<i32>} : memref<800x128xf32, #tpu.memory_space<vmem>>, vector<1x16xf32>,
        %swap3A_208 = vector.shape_cast %swap3A_207 : vector<1x16xf32> to vector<16xf32>
        %swap3A_209 = vector.shape_cast %get3A_204 : vector<16xf32> to vector<1x16xf32>
        tpu.vector_store %arg8[%swap3A_205, %swap3A_206], %swap3A_209 {add = true, strides = array<i32>} : memref<800x128xf32, #tpu.memory_space<vmem>>, vector<1x16xf32>,
        %add3A_210 = arith.addi %mul3A_99, %add3A_187 : i32
        %add3A_211 = arith.addi %mul3A_111, %add3A_187 : i32
        %get3A_212 = arith.index_cast %add3A_211 : i32 to index
        %get3A_213 = arith.constant 32 : index
        %get3A_214 = tpu.vector_load %arg7[%get3A_212, %get3A_213] {strides = array<i32>} : memref<200x64xf32, #tpu.memory_space<vmem>>, vector<1x16xf32>,
        %get3A_215 = vector.shape_cast %get3A_214 : vector<1x16xf32> to vector<16xf32>
        %swap3A_216 = arith.index_cast %add3A_210 : i32 to index
        %swap3A_217 = arith.constant 32 : index
        %swap3A_218 = tpu.vector_load %arg8[%swap3A_216, %swap3A_217] {strides = array<i32>} : memref<800x128xf32, #tpu.memory_space<vmem>>, vector<1x16xf32>,
        %swap3A_219 = vector.shape_cast %swap3A_218 : vector<1x16xf32> to vector<16xf32>
        %swap3A_220 = vector.shape_cast %get3A_215 : vector<16xf32> to vector<1x16xf32>
        tpu.vector_store %arg8[%swap3A_216, %swap3A_217], %swap3A_220 {add = true, strides = array<i32>} : memref<800x128xf32, #tpu.memory_space<vmem>>, vector<1x16xf32>,
        %add3A_221 = arith.addi %mul3A_99, %add3A_187 : i32
        %add3A_222 = arith.addi %mul3A_111, %add3A_187 : i32
        %get3A_223 = arith.index_cast %add3A_222 : i32 to index
        %get3A_224 = arith.constant 48 : index
        %get3A_225 = tpu.vector_load %arg7[%get3A_223, %get3A_224] {strides = array<i32>} : memref<200x64xf32, #tpu.memory_space<vmem>>, vector<1x16xf32>,
        %get3A_226 = vector.shape_cast %get3A_225 : vector<1x16xf32> to vector<16xf32>
        %swap3A_227 = arith.index_cast %add3A_221 : i32 to index
        %swap3A_228 = arith.constant 48 : index
        %swap3A_229 = tpu.vector_load %arg8[%swap3A_227, %swap3A_228] {strides = array<i32>} : memref<800x128xf32, #tpu.memory_space<vmem>>, vector<1x16xf32>,
        %swap3A_230 = vector.shape_cast %swap3A_229 : vector<1x16xf32> to vector<16xf32>
        %swap3A_231 = vector.shape_cast %get3A_226 : vector<16xf32> to vector<1x16xf32>
        tpu.vector_store %arg8[%swap3A_227, %swap3A_228], %swap3A_231 {add = true, strides = array<i32>} : memref<800x128xf32, #tpu.memory_space<vmem>>, vector<1x16xf32>,
        %scan3A_232 = arith.constant 2 : i32
        %scan3A_233 = arith.addi %scan3A_135, %scan3A_232 : i32
        %mul3A_234 = arith.constant 1 : i32
        %mul3A_235 = arith.muli %scan3A_233, %mul3A_234 : i32
        %add3A_236 = arith.constant 0 : i32
        %add3A_237 = arith.addi %add3A_236, %mul3A_235 : i32
        %add3A_238 = arith.addi %mul3A_99, %add3A_237 : i32
        %add3A_239 = arith.addi %mul3A_111, %add3A_237 : i32
        %get3A_240 = arith.index_cast %add3A_239 : i32 to index
        %get3A_241 = arith.constant 0 : index
        %get3A_242 = tpu.vector_load %arg7[%get3A_240, %get3A_241] {strides = array<i32>} : memref<200x64xf32, #tpu.memory_space<vmem>>, vector<1x16xf32>,
        %get3A_243 = vector.shape_cast %get3A_242 : vector<1x16xf32> to vector<16xf32>
        %swap3A_244 = arith.index_cast %add3A_238 : i32 to index
        %swap3A_245 = arith.constant 0 : index
        %swap3A_246 = tpu.vector_load %arg8[%swap3A_244, %swap3A_245] {strides = array<i32>} : memref<800x128xf32, #tpu.memory_space<vmem>>, vector<1x16xf32>,
        %swap3A_247 = vector.shape_cast %swap3A_246 : vector<1x16xf32> to vector<16xf32>
        %swap3A_248 = vector.shape_cast %get3A_243 : vector<16xf32> to vector<1x16xf32>
        tpu.vector_store %arg8[%swap3A_244, %swap3A_245], %swap3A_248 {add = true, strides = array<i32>} : memref<800x128xf32, #tpu.memory_space<vmem>>, vector<1x16xf32>,
        %add3A_249 = arith.addi %mul3A_99, %add3A_237 : i32
        %add3A_250 = arith.addi %mul3A_111, %add3A_237 : i32
        %get3A_251 = arith.index_cast %add3A_250 : i32 to index
        %get3A_252 = arith.constant 16 : index
        %get3A_253 = tpu.vector_load %arg7[%get3A_251, %get3A_252] {strides = array<i32>} : memref<200x64xf32, #tpu.memory_space<vmem>>, vector<1x16xf32>,
        %get3A_254 = vector.shape_cast %get3A_253 : vector<1x16xf32> to vector<16xf32>
        %swap3A_255 = arith.index_cast %add3A_249 : i32 to index
        %swap3A_256 = arith.constant 16 : index
        %swap3A_257 = tpu.vector_load %arg8[%swap3A_255, %swap3A_256] {strides = array<i32>} : memref<800x128xf32, #tpu.memory_space<vmem>>, vector<1x16xf32>,
        %swap3A_258 = vector.shape_cast %swap3A_257 : vector<1x16xf32> to vector<16xf32>
        %swap3A_259 = vector.shape_cast %get3A_254 : vector<16xf32> to vector<1x16xf32>
        tpu.vector_store %arg8[%swap3A_255, %swap3A_256], %swap3A_259 {add = true, strides = array<i32>} : memref<800x128xf32, #tpu.memory_space<vmem>>, vector<1x16xf32>,
        %add3A_260 = arith.addi %mul3A_99, %add3A_237 : i32
        %add3A_261 = arith.addi %mul3A_111, %add3A_237 : i32
        %get3A_262 = arith.index_cast %add3A_261 : i32 to index
        %get3A_263 = arith.constant 32 : index
        %get3A_264 = tpu.vector_load %arg7[%get3A_262, %get3A_263] {strides = array<i32>} : memref<200x64xf32, #tpu.memory_space<vmem>>, vector<1x16xf32>,
        %get3A_265 = vector.shape_cast %get3A_264 : vector<1x16xf32> to vector<16xf32>
        %swap3A_266 = arith.index_cast %add3A_260 : i32 to index
        %swap3A_267 = arith.constant 32 : index
        %swap3A_268 = tpu.vector_load %arg8[%swap3A_266, %swap3A_267] {strides = array<i32>} : memref<800x128xf32, #tpu.memory_space<vmem>>, vector<1x16xf32>,
        %swap3A_269 = vector.shape_cast %swap3A_268 : vector<1x16xf32> to vector<16xf32>
        %swap3A_270 = vector.shape_cast %get3A_265 : vector<16xf32> to vector<1x16xf32>
        tpu.vector_store %arg8[%swap3A_266, %swap3A_267], %swap3A_270 {add = true, strides = array<i32>} : memref<800x128xf32, #tpu.memory_space<vmem>>, vector<1x16xf32>,
        %add3A_271 = arith.addi %mul3A_99, %add3A_237 : i32
        %add3A_272 = arith.addi %mul3A_111, %add3A_237 : i32
        %get3A_273 = arith.index_cast %add3A_272 : i32 to index
        %get3A_274 = arith.constant 48 : index
        %get3A_275 = tpu.vector_load %arg7[%get3A_273, %get3A_274] {strides = array<i32>} : memref<200x64xf32, #tpu.memory_space<vmem>>, vector<1x16xf32>,
        %get3A_276 = vector.shape_cast %get3A_275 : vector<1x16xf32> to vector<16xf32>
        %swap3A_277 = arith.index_cast %add3A_271 : i32 to index
        %swap3A_278 = arith.constant 48 : index
        %swap3A_279 = tpu.vector_load %arg8[%swap3A_277, %swap3A_278] {strides = array<i32>} : memref<800x128xf32, #tpu.memory_space<vmem>>, vector<1x16xf32>,
        %swap3A_280 = vector.shape_cast %swap3A_279 : vector<1x16xf32> to vector<16xf32>
        %swap3A_281 = vector.shape_cast %get3A_276 : vector<16xf32> to vector<1x16xf32>
        tpu.vector_store %arg8[%swap3A_277, %swap3A_278], %swap3A_281 {add = true, strides = array<i32>} : memref<800x128xf32, #tpu.memory_space<vmem>>, vector<1x16xf32>,
        %scan3A_282 = arith.constant 3 : i32
        %scan3A_283 = arith.addi %scan3A_135, %scan3A_282 : i32
        %mul3A_284 = arith.constant 1 : i32
        %mul3A_285 = arith.muli %scan3A_283, %mul3A_284 : i32
        %add3A_286 = arith.constant 0 : i32
        %add3A_287 = arith.addi %add3A_286, %mul3A_285 : i32
        %add3A_288 = arith.addi %mul3A_99, %add3A_287 : i32
        %add3A_289 = arith.addi %mul3A_111, %add3A_287 : i32
        %get3A_290 = arith.index_cast %add3A_289 : i32 to index
        %get3A_291 = arith.constant 0 : index
        %get3A_292 = tpu.vector_load %arg7[%get3A_290, %get3A_291] {strides = array<i32>} : memref<200x64xf32, #tpu.memory_space<vmem>>, vector<1x16xf32>,
        %get3A_293 = vector.shape_cast %get3A_292 : vector<1x16xf32> to vector<16xf32>
        %swap3A_294 = arith.index_cast %add3A_288 : i32 to index
        %swap3A_295 = arith.constant 0 : index
        %swap3A_296 = tpu.vector_load %arg8[%swap3A_294, %swap3A_295] {strides = array<i32>} : memref<800x128xf32, #tpu.memory_space<vmem>>, vector<1x16xf32>,
        %swap3A_297 = vector.shape_cast %swap3A_296 : vector<1x16xf32> to vector<16xf32>
        %swap3A_298 = vector.shape_cast %get3A_293 : vector<16xf32> to vector<1x16xf32>
        tpu.vector_store %arg8[%swap3A_294, %swap3A_295], %swap3A_298 {add = true, strides = array<i32>} : memref<800x128xf32, #tpu.memory_space<vmem>>, vector<1x16xf32>,
        %add3A_299 = arith.addi %mul3A_99, %add3A_287 : i32
        %add3A_300 = arith.addi %mul3A_111, %add3A_287 : i32
        %get3A_301 = arith.index_cast %add3A_300 : i32 to index
        %get3A_302 = arith.constant 16 : index
        %get3A_303 = tpu.vector_load %arg7[%get3A_301, %get3A_302] {strides = array<i32>} : memref<200x64xf32, #tpu.memory_space<vmem>>, vector<1x16xf32>,
        %get3A_304 = vector.shape_cast %get3A_303 : vector<1x16xf32> to vector<16xf32>
        %swap3A_305 = arith.index_cast %add3A_299 : i32 to index
        %swap3A_306 = arith.constant 16 : index
        %swap3A_307 = tpu.vector_load %arg8[%swap3A_305, %swap3A_306] {strides = array<i32>} : memref<800x128xf32, #tpu.memory_space<vmem>>, vector<1x16xf32>,
        %swap3A_308 = vector.shape_cast %swap3A_307 : vector<1x16xf32> to vector<16xf32>
        %swap3A_309 = vector.shape_cast %get3A_304 : vector<16xf32> to vector<1x16xf32>
        tpu.vector_store %arg8[%swap3A_305, %swap3A_306], %swap3A_309 {add = true, strides = array<i32>} : memref<800x128xf32, #tpu.memory_space<vmem>>, vector<1x16xf32>,
        %add3A_310 = arith.addi %mul3A_99, %add3A_287 : i32
        %add3A_311 = arith.addi %mul3A_111, %add3A_287 : i32
        %get3A_312 = arith.index_cast %add3A_311 : i32 to index
        %get3A_313 = arith.constant 32 : index
        %get3A_314 = tpu.vector_load %arg7[%get3A_312, %get3A_313] {strides = array<i32>} : memref<200x64xf32, #tpu.memory_space<vmem>>, vector<1x16xf32>,
        %get3A_315 = vector.shape_cast %get3A_314 : vector<1x16xf32> to vector<16xf32>
        %swap3A_316 = arith.index_cast %add3A_310 : i32 to index
        %swap3A_317 = arith.constant 32 : index
        %swap3A_318 = tpu.vector_load %arg8[%swap3A_316, %swap3A_317] {strides = array<i32>} : memref<800x128xf32, #tpu.memory_space<vmem>>, vector<1x16xf32>,
        %swap3A_319 = vector.shape_cast %swap3A_318 : vector<1x16xf32> to vector<16xf32>
        %swap3A_320 = vector.shape_cast %get3A_315 : vector<16xf32> to vector<1x16xf32>
        tpu.vector_store %arg8[%swap3A_316, %swap3A_317], %swap3A_320 {add = true, strides = array<i32>} : memref<800x128xf32, #tpu.memory_space<vmem>>, vector<1x16xf32>,
        %add3A_321 = arith.addi %mul3A_99, %add3A_287 : i32
        %add3A_322 = arith.addi %mul3A_111, %add3A_287 : i32
        %get3A_323 = arith.index_cast %add3A_322 : i32 to index
        %get3A_324 = arith.constant 48 : index
        %get3A_325 = tpu.vector_load %arg7[%get3A_323, %get3A_324] {strides = array<i32>} : memref<200x64xf32, #tpu.memory_space<vmem>>, vector<1x16xf32>,
        %get3A_326 = vector.shape_cast %get3A_325 : vector<1x16xf32> to vector<16xf32>
        %swap3A_327 = arith.index_cast %add3A_321 : i32 to index
        %swap3A_328 = arith.constant 48 : index
        %swap3A_329 = tpu.vector_load %arg8[%swap3A_327, %swap3A_328] {strides = array<i32>} : memref<800x128xf32, #tpu.memory_space<vmem>>, vector<1x16xf32>,
        %swap3A_330 = vector.shape_cast %swap3A_329 : vector<1x16xf32> to vector<16xf32>
        %swap3A_331 = vector.shape_cast %get3A_326 : vector<16xf32> to vector<1x16xf32>
        tpu.vector_store %arg8[%swap3A_327, %swap3A_328], %swap3A_331 {add = true, strides = array<i32>} : memref<800x128xf32, #tpu.memory_space<vmem>>, vector<1x16xf32>,
      }
      %scan3A_116 = arith.constant 100 : i32
      %div3A = arith.constant 2 : i32
      %div3A_117 = arith.divsi %add3A_96, %div3A : i32
      %add3A_118 = arith.addi %mul3A_4, %div3A_117 : i32
      %dma_start3A_119 = arith.constant 0 : i32
      %dma_start3A_120 = tpu.memref_slice %arg8[%mul3A_99, %dma_start3A_119] : memref<800x128xf32, #tpu.memory_space<vmem>> -> memref<100x64xf32, #tpu.memory_space<vmem>>
      %dma_start3A_121 = arith.constant 0 : i32
      %dma_start3A_122 = tpu.memref_slice %arg5[%add3A_118, %mul3A_111, %dma_start3A_121] : memref<1024x200x64xf32, #tpu.memory_space<hbm>> -> memref<1x100x64xf32, #tpu.memory_space<hbm>>
      %dma_start3A_123 = tpu.memref_squeeze %dma_start3A_122 : memref<1x100x64xf32, #tpu.memory_space<hbm>> -> memref<100x64xf32, #tpu.memory_space<hbm>>
      %dma_start3A_124 = arith.constant 0 : i32
      %dma_start3A_125 = tpu.memref_slice %arg5[%add3A_118, %mul3A_111, %dma_start3A_124] : memref<1024x200x64xf32, #tpu.memory_space<hbm>> -> memref<1x100x64xf32, #tpu.memory_space<hbm>>
      %dma_start3A_126 = tpu.memref_squeeze %dma_start3A_125 : memref<1x100x64xf32, #tpu.memory_space<hbm>> -> memref<100x64xf32, #tpu.memory_space<hbm>>
      %dma_start3A_127 = arith.constant 0 : i32
      %dma_start3A_128 = tpu.memref_slice %arg8[%mul3A_99, %dma_start3A_127] : memref<800x128xf32, #tpu.memory_space<vmem>> -> memref<100x64xf32, #tpu.memory_space<vmem>>
      tpu.enqueue_dma source(%dma_start3A_128 : memref<100x64xf32, #tpu.memory_space<vmem>>) target(%dma_start3A_126 : memref<100x64xf32, #tpu.memory_space<hbm>>) target_semaphore(%arg10 : memref<!tpu.dma_semaphore, #tpu.memory_space<semaphore_mem>>)
      %gt3A = arith.constant 0 : i32
      %gt3A_129 = arith.cmpi sgt, %add3A_96, %gt3A : i32
      %convert_element_type3A = arith.extui %gt3A_129 : i1 to i32
      %cond3A = arith.constant 0 : i32
      %cond3A_130 = arith.cmpi ne, %convert_element_type3A, %cond3A : i32
      scf.if %cond3A_130 {
        %dma_wait3A_135 = arith.constant 0 : i32
        %dma_wait3A_136 = arith.constant 0 : i32
        %dma_wait3A_137 = arith.constant 0 : i32
        %dma_wait3A_138 = tpu.memref_slice %arg8[%dma_wait3A_136, %dma_wait3A_137] : memref<800x128xf32, #tpu.memory_space<vmem>> -> memref<100x64xf32, #tpu.memory_space<vmem>>
        %dma_wait3A_139 = arith.constant 0 : i32
        %dma_wait3A_140 = arith.constant 0 : i32
        %dma_wait3A_141 = tpu.memref_slice %arg5[%dma_wait3A_135, %dma_wait3A_139, %dma_wait3A_140] : memref<1024x200x64xf32, #tpu.memory_space<hbm>> -> memref<1x100x64xf32, #tpu.memory_space<hbm>>
        %dma_wait3A_142 = tpu.memref_squeeze %dma_wait3A_141 : memref<1x100x64xf32, #tpu.memory_space<hbm>> -> memref<100x64xf32, #tpu.memory_space<hbm>>
        %dma_wait3A_143 = arith.constant 0 : i32
        %dma_wait3A_144 = arith.constant 0 : i32
        %dma_wait3A_145 = tpu.memref_slice %arg5[%dma_wait3A_135, %dma_wait3A_143, %dma_wait3A_144] : memref<1024x200x64xf32, #tpu.memory_space<hbm>> -> memref<1x100x64xf32, #tpu.memory_space<hbm>>
        %dma_wait3A_146 = tpu.memref_squeeze %dma_wait3A_145 : memref<1x100x64xf32, #tpu.memory_space<hbm>> -> memref<100x64xf32, #tpu.memory_space<hbm>>
        %dma_wait3A_147 = arith.constant 0 : i32
        %dma_wait3A_148 = arith.constant 0 : i32
        %dma_wait3A_149 = tpu.memref_slice %arg8[%dma_wait3A_147, %dma_wait3A_148] : memref<800x128xf32, #tpu.memory_space<vmem>> -> memref<100x64xf32, #tpu.memory_space<vmem>>
        tpu.wait_dma2 semaphore(%arg10 : memref<!tpu.dma_semaphore, #tpu.memory_space<semaphore_mem>>) src(%dma_wait3A_149 : memref<100x64xf32, #tpu.memory_space<vmem>>) dst(%dma_wait3A_146 : memref<100x64xf32, #tpu.memory_space<hbm>>)
      } else {
      }
      %lt3A = arith.constant 57 : i32
      %lt3A_131 = arith.cmpi slt, %add3A_96, %lt3A : i32
      %convert_element_type3A_132 = arith.extui %lt3A_131 : i1 to i32
      %cond3A_133 = arith.constant 0 : i32
      %cond3A_134 = arith.cmpi ne, %convert_element_type3A_132, %cond3A_133 : i32
      scf.if %cond3A_134 {
        %add3A_135 = arith.constant 7 : i32
        %add3A_136 = arith.addi %add3A_96, %add3A_135 : i32
        %add3A_137 = arith.constant 7 : i32
        %add3A_138 = arith.addi %add3A_96, %add3A_137 : i32
        %rem3A_139 = arith.constant 8 : i32
        %rem3A_140 = arith.remsi %add3A_138, %rem3A_139 : i32
        %mul3A_141 = arith.constant 100 : i32
        %mul3A_142 = arith.muli %rem3A_140, %mul3A_141 : i32
        %dma_start3A_143 = arith.constant 0 : i32
        %dma_start3A_144 = tpu.memref_slice %arg8[%mul3A_142, %dma_start3A_143] : memref<800x128xf32, #tpu.memory_space<vmem>> -> memref<100x128xf32, #tpu.memory_space<vmem>>
        %dma_start3A_145 = arith.constant 0 : i32
        %dma_start3A_146 = tpu.memref_slice %arg6[%add3A_136, %dma_start3A_145] : memref<64x100xi32, #tpu.memory_space<vmem>> -> memref<1x100xi32, #tpu.memory_space<vmem>>
        %dma_start3A_147 = tpu.memref_squeeze %dma_start3A_146 : memref<1x100xi32, #tpu.memory_space<vmem>> -> memref<100xi32, #tpu.memory_space<vmem>>
        %dma_start3A_148 = arith.constant 0 : i32
        %dma_start3A_149 = arith.constant 0 : i32
        %dma_start3A_150 = tpu.memref_slice %arg3[%dma_start3A_148, %dma_start3A_149] : memref<1000000x128xf32, #tpu.memory_space<hbm>> -> memref<1000000x128xf32, #tpu.memory_space<hbm>>
        tpu.enqueue_indirect_dma source(%dma_start3A_150 : memref<1000000x128xf32, #tpu.memory_space<hbm>>) target(%dma_start3A_144 : memref<100x128xf32, #tpu.memory_space<vmem>>) offsets(%dma_start3A_147 : memref<100xi32, #tpu.memory_space<vmem>>) semaphore(%arg9 : memref<!tpu.dma_semaphore, #tpu.memory_space<semaphore_mem>>)
      } else {
      }
    }
    %scan3A_77 = arith.constant 64 : i32
    %dma_wait3A = arith.constant 0 : i32
    %dma_wait3A_78 = arith.constant 0 : i32
    %dma_wait3A_79 = arith.constant 0 : i32
    %dma_wait3A_80 = tpu.memref_slice %arg8[%dma_wait3A_78, %dma_wait3A_79] : memref<800x128xf32, #tpu.memory_space<vmem>> -> memref<100x64xf32, #tpu.memory_space<vmem>>
    %dma_wait3A_81 = arith.constant 0 : i32
    %dma_wait3A_82 = arith.constant 0 : i32
    %dma_wait3A_83 = tpu.memref_slice %arg5[%dma_wait3A, %dma_wait3A_81, %dma_wait3A_82] : memref<1024x200x64xf32, #tpu.memory_space<hbm>> -> memref<1x100x64xf32, #tpu.memory_space<hbm>>
    %dma_wait3A_84 = tpu.memref_squeeze %dma_wait3A_83 : memref<1x100x64xf32, #tpu.memory_space<hbm>> -> memref<100x64xf32, #tpu.memory_space<hbm>>
    %dma_wait3A_85 = arith.constant 0 : i32
    %dma_wait3A_86 = arith.constant 0 : i32
    %dma_wait3A_87 = tpu.memref_slice %arg5[%dma_wait3A, %dma_wait3A_85, %dma_wait3A_86] : memref<1024x200x64xf32, #tpu.memory_space<hbm>> -> memref<1x100x64xf32, #tpu.memory_space<hbm>>
    %dma_wait3A_88 = tpu.memref_squeeze %dma_wait3A_87 : memref<1x100x64xf32, #tpu.memory_space<hbm>> -> memref<100x64xf32, #tpu.memory_space<hbm>>
    %dma_wait3A_89 = arith.constant 0 : i32
    %dma_wait3A_90 = arith.constant 0 : i32
    %dma_wait3A_91 = tpu.memref_slice %arg8[%dma_wait3A_89, %dma_wait3A_90] : memref<800x128xf32, #tpu.memory_space<vmem>> -> memref<100x64xf32, #tpu.memory_space<vmem>>
    tpu.wait_dma2 semaphore(%arg10 : memref<!tpu.dma_semaphore, #tpu.memory_space<semaphore_mem>>) src(%dma_wait3A_91 : memref<100x64xf32, #tpu.memory_space<vmem>>) dst(%dma_wait3A_88 : memref<100x64xf32, #tpu.memory_space<hbm>>)
    return
  }
}

module attributes {stable_mosaic.version = 14 : i64} {
  func.func @_enc_body(%arg0: memref<200x64xf32, #tpu.memory_space<vmem>>) attributes {dimension_semantics = [], scalar_prefetch = 0 : i64, scratch_operands = 0 : i64, tpu.core_type = #tpu.core_type<tc>} {
    %iota3A = tpu.iota {dimensions = array<i32: 0>} : vector<200x64xi32>
    %convert_element_type3A = arith.sitofp %iota3A : vector<200x64xi32> to vector<200x64xf32>
    %iota3A_0 = tpu.iota {dimensions = array<i32: 1>} : vector<200x64xi32>
    %jit3A = arith.constant 2 : i32
    %div3A = vector.broadcast %jit3A : i32 to vector<200x64xi32>
    %div3A_1 = arith.divsi %iota3A_0, %div3A : vector<200x64xi32>
    %sign3A = arith.constant 0 : i32
    %sign3A_2 = vector.broadcast %sign3A : i32 to vector<200x64xi32>
    %sign3A_3 = arith.cmpi sgt, %iota3A_0, %sign3A_2 : vector<200x64xi32>
    %sign3A_4 = arith.extui %sign3A_3 : vector<200x64xi1> to vector<200x64xi32>
    %sign3A_5 = arith.constant 0 : i32
    %sign3A_6 = vector.broadcast %sign3A_5 : i32 to vector<200x64xi32>
    %sign3A_7 = arith.cmpi slt, %iota3A_0, %sign3A_6 : vector<200x64xi32>
    %sign3A_8 = arith.extui %sign3A_7 : vector<200x64xi1> to vector<200x64xi32>
    %sign3A_9 = arith.subi %sign3A_4, %sign3A_8 : vector<200x64xi32>
    %sign3A_10 = arith.constant 0 : i32
    %sign3A_11 = arith.cmpi sgt, %jit3A, %sign3A_10 : i32
    %sign3A_12 = arith.extui %sign3A_11 : i1 to i32
    %sign3A_13 = arith.constant 0 : i32
    %sign3A_14 = arith.cmpi slt, %jit3A, %sign3A_13 : i32
    %sign3A_15 = arith.extui %sign3A_14 : i1 to i32
    %sign3A_16 = arith.subi %sign3A_12, %sign3A_15 : i32
    %ne3A = vector.broadcast %sign3A_16 : i32 to vector<200x64xi32>
    %ne3A_17 = arith.cmpi ne, %sign3A_9, %ne3A : vector<200x64xi32>
    %rem3A = vector.broadcast %jit3A : i32 to vector<200x64xi32>
    %rem3A_18 = arith.remsi %iota3A_0, %rem3A : vector<200x64xi32>
    %ne3A_19 = arith.constant 0 : i32
    %ne3A_20 = vector.broadcast %ne3A_19 : i32 to vector<200x64xi32>
    %ne3A_21 = arith.cmpi ne, %rem3A_18, %ne3A_20 : vector<200x64xi32>
    %and3A = arith.andi %ne3A_17, %ne3A_21 : vector<200x64xi1>
    %sub3A = arith.constant 1 : i32
    %sub3A_22 = vector.broadcast %sub3A : i32 to vector<200x64xi32>
    %sub3A_23 = arith.subi %div3A_1, %sub3A_22 : vector<200x64xi32>
    %select_n3A = arith.select %and3A, %sub3A_23, %div3A_1 : vector<200x64xi1>, vector<200x64xi32>
    %mul3A = arith.constant 2 : i32
    %mul3A_24 = vector.broadcast %mul3A : i32 to vector<200x64xi32>
    %mul3A_25 = arith.muli %mul3A_24, %select_n3A : vector<200x64xi32>
    %convert_element_type3A_26 = arith.sitofp %mul3A_25 : vector<200x64xi32> to vector<200x64xf32>
    %mul3A_27 = arith.constant 1.562500e-02 : f32
    %mul3A_28 = vector.broadcast %mul3A_27 : f32 to vector<200x64xf32>
    %mul3A_29 = arith.mulf %convert_element_type3A_26, %mul3A_28 : vector<200x64xf32>
    %log3A = arith.constant 9.99999974E-5 : f32
    %log3A_30 = math.log %log3A : f32
    %mul3A_31 = vector.broadcast %log3A_30 : f32 to vector<200x64xf32>
    %mul3A_32 = arith.mulf %mul3A_29, %mul3A_31 : vector<200x64xf32>
    %exp3A = math.exp %mul3A_32 : vector<200x64xf32>
    %mul3A_33 = arith.mulf %convert_element_type3A, %exp3A : vector<200x64xf32>
    %jit3A_34 = arith.constant 2 : i32
    %eq3A = arith.constant 0 : i32
    %eq3A_35 = arith.cmpi eq, %jit3A_34, %eq3A : i32
    %jit3A_36 = arith.constant 1 : i32
    %select_n3A_37 = arith.select %eq3A_35, %jit3A_36, %jit3A_34 : i32
    %rem3A_38 = vector.broadcast %select_n3A_37 : i32 to vector<200x64xi32>
    %rem3A_39 = arith.remsi %iota3A_0, %rem3A_38 : vector<200x64xi32>
    %ne3A_40 = arith.constant 0 : i32
    %ne3A_41 = vector.broadcast %ne3A_40 : i32 to vector<200x64xi32>
    %ne3A_42 = arith.cmpi ne, %rem3A_39, %ne3A_41 : vector<200x64xi32>
    %lt3A = arith.constant 0 : i32
    %lt3A_43 = vector.broadcast %lt3A : i32 to vector<200x64xi32>
    %lt3A_44 = arith.cmpi slt, %rem3A_39, %lt3A_43 : vector<200x64xi32>
    %lt3A_45 = arith.constant 0 : i32
    %lt3A_46 = arith.cmpi slt, %select_n3A_37, %lt3A_45 : i32
    %ne3A_47 = vector.broadcast %lt3A_46 : i1 to vector<200x64xi1>
    %ne3A_48 = vector.broadcast %ne3A_47 : vector<200x64xi1> to vector<200x64xi1>
    %ne3A_49 = arith.xori %lt3A_44, %ne3A_48 : vector<200x64xi1>
    %and3A_50 = arith.andi %ne3A_49, %ne3A_42 : vector<200x64xi1>
    %add3A = vector.broadcast %select_n3A_37 : i32 to vector<200x64xi32>
    %add3A_51 = arith.addi %rem3A_39, %add3A : vector<200x64xi32>
    %select_n3A_52 = arith.select %and3A_50, %add3A_51, %rem3A_39 : vector<200x64xi1>, vector<200x64xi32>
    %convert_element_type3A_53 = arith.sitofp %select_n3A_52 : vector<200x64xi32> to vector<200x64xf32>
    %sin3A = math.sin %mul3A_33 : vector<200x64xf32>
    %sub3A_54 = arith.constant 1.000000e+00 : f32
    %sub3A_55 = vector.broadcast %sub3A_54 : f32 to vector<200x64xf32>
    %sub3A_56 = arith.subf %sub3A_55, %convert_element_type3A_53 : vector<200x64xf32>
    %mul3A_57 = arith.mulf %sin3A, %sub3A_56 : vector<200x64xf32>
    %cos3A = math.cos %mul3A_33 : vector<200x64xf32>
    %mul3A_58 = arith.mulf %cos3A, %convert_element_type3A_53 : vector<200x64xf32>
    %add3A_59 = arith.addf %mul3A_57, %mul3A_58 : vector<200x64xf32>
    %swap3A = arith.constant 0 : index
    %swap3A_60 = arith.constant 0 : index
    %swap3A_61 = vector.load %arg0[%swap3A, %swap3A_60] : memref<200x64xf32, #tpu.memory_space<vmem>>, vector<200x64xf32>
    tpu.vector_store %arg0[%swap3A, %swap3A_60], %add3A_59 {strides = array<i32>} : memref<200x64xf32, #tpu.memory_space<vmem>>, vector<200x64xf32>,
    return
  }
}

</mosaic_0001>

<sc_bundles>
// kernel: kernel.4.cloned.1.call-start
scs
__scs_entry_jumppad:
0x0: {  	(pc) =	sbr.rel $0x88, $3  }
0x1: {  	(tag) =	ssettag $0x0;
	lr =	simm.s32 $0x1  }
0x2: {  	[smem:$0x3F9F] =	sst lr;
	_ =	strace $0xD0000000  }
0x3: {  	_ = 	snop  }
0x4: {  	_ = 	snop  }
0x5: {  	_ = 	snop  }
0x6: {  	_ = 	snop  }
0x7: {  	_ = 	snop  }
__scs_overlays_trampoline_lowered:
0x8: {  	[smem:$0x3FAE] =	sst s0  }
0x9: {  	[smem:$0x3FAF] =	sst s1  }
0xa: {  	[smem:$0x3FB0] =	sst s2  }
0xb: {  	[smem:$0x3FB1] =	sst s3  }
0xc: {  	[smem:$0x3FB2] =	sst s4  }
0xd: {  	[smem:$0x3FB3] =	sst s5  }
0xe: {  	[smem:$0x3FB4] =	sst s6  }
0xf: {  	[smem:$0x3FB5] =	sst s7  }
0x10: {  	[smem:$0x3FB6] =	sst s8  }
0x11: {  	[smem:$0x3FB7] =	sst s9;
	s0 =	simm.s32 @!p0 $0x0  }
0x12: {  	s1 =	sld [smem:$0x3F9D];
	s0 =	simm.s32 @p0 $0x1  }
0x13: {  	[smem:$0x3FB8] =	sst s0;
	s0 =	simm.s32 @!p1 $0x0  }
0x14: {  	s2 =	sld [smem:$0x3F9C];
	s0 =	simm.s32 @p1 $0x1  }
0x15: {  	[smem:$0x3FB9] =	sst s0;
	s0 =	simm.s32 @!p2 $0x0  }
0x16: {  	s3 =	sld [smem:$0x3FDB];
	s0 =	simm.s32 @p2 $0x1  }
0x17: {  	s4 =	simm.s32 $0x1BF5;
	[smem:$0x3FBB] =	sst s0  }
0x18: {  	s0 =	sld [smem:$0x3F9E];
	_ =	swait.ge [sflag:s4], $0x0  }
0x19: {  	s7 =	sld [smem:$0x3F9F]  }
0x1a: {  	s8 =	sadd.s32 $0xFFFFE003, lr  }
0x1b: {  	s9 =	sadd.s32 $0xFFFFFEF7, lr;
	s5 =	simm.s32 $0xFFFFFFFF;
	p2 =	slt.u32 s8, $0xFFFFF086  }
0x1c: {  	p1 =	slt.u32 s9, $0xF7A;
	s5 =	simm.s32 @!p2 $0x0  }
0x1d: {  	s5 =	simm.s32 @p1 $0x1;
	p0 =	seq.s32 s7, s2  }
0x1e: {  	s7 =	smul.u32 @!p0 $0xF7A, s2;
	p2 =	seq.s32 @!p0 s5, $0x0  }
0x1f: {  	s9 =	smul.u32 $0xF7A, s1;
	s8 =	simm.s32 @!p0 $0x1BF5;
	p2 =	por !p2, p0  }
0x20: {  	[sflag:s8] =	ssyncset.s32 @!p0 $0xFFFFF086;
	s6 =	sadd.s32 @!p0 s3, s7;
	s7 =	simm.s32 @!p0 $0x108  }
0x21: {  	s3 =	sadd.s32 s3, s9;
	s6 =	sadd.s32 @!p0 $0x88, s6;
	s7 =	simm.s32 @p2 $0x1082  }
0x22: {  	[simem:s7], [sflag:s8] =	dma.local @!p0 [hbm:s6], $0xF7A  }
0x23: {  	s9 =	sor.u32 $0xD0000000, s2;
	s6 =	simm.s32 $0x108;
	_ =	swait.ge @!p0 [sflag:s8], $0x0  }
0x24: {  	s3 =	sadd.s32 $0x88, s3;
	s6 =	simm.s32 @!p1 $0x1082;
	[sflag:s4] =	ssyncset.s32 $0xFFFFF086  }
0x25: {  	[simem:s6], [sflag:s4] =	dma.local [hbm:s3], $0xF7A  }
0x26: {  	[smem:$0x3F9F] =	sst s1;
	(tag) =	ssettag s2;
	_ =	strace s9  }
0x27: {  	s1 =	sld [smem:$0x3FAF]  }
0x28: {  	s2 =	sld [smem:$0x3FB0]  }
0x29: {  	s4 =	sld [smem:$0x3FB2]  }
0x2a: {  	p0 =	seq.s32 s5, $0x0;
	s5 =	sld [smem:$0x3FB3]  }
0x2b: {  	s6 =	sld [smem:$0x3FB4]  }
0x2c: {  	s7 =	sld [smem:$0x3FB5]  }
0x2d: {  	s3 =	simm.s32 $0x108;
	s8 =	sld [smem:$0x3FB6]  }
0x2e: {  	s3 =	simm.s32 @!p0 $0x1082;
	s9 =	sld [smem:$0x3FB7]  }
0x2f: {  	lr =	sadd.s32 s0, s3;
	s0 =	sld [smem:$0x3FAE]  }
0x30: {  	s3 =	sld [smem:$0x3FB1]  }
0x31: {  	[smem:$0x3FBA] =	sst s10  }
0x32: {  	s10 =	sld [smem:$0x3FB8];
	_ =	sdelay $0x3  }
0x33: {  	p0 =	seq.s32 s10, $0x1;
	s10 =	sld [smem:$0x3FBA];
	_ =	sdelay $0x3  }
0x34: {  	[smem:$0x3FBA] =	sst s10  }
0x35: {  	s10 =	sld [smem:$0x3FB9];
	_ =	sdelay $0x3  }
0x36: {  	p1 =	seq.s32 s10, $0x1;
	s10 =	sld [smem:$0x3FBA];
	_ =	sdelay $0x3  }
0x37: {  	[smem:$0x3FBA] =	sst s10  }
0x38: {  	s10 =	sld [smem:$0x3FBB]  }
0x39: {  	_ = 	snop;
	(pc) =	sbr.ind lr, $3  }
0x3a: {  	_ = 	snop  }
0x3b: {  	_ = 	snop  }
0x3c: {  	p2 =	seq.s32 s10, $0x1;
	s10 =	sld [smem:$0x3FBA]  }
0x3d: {  	_ =	shalt  }
0x3e: {  	_ =	shalt  }
0x3f: {  	_ =	shalt  }
0x40: {  	_ =	shalt  }
0x41: {  	_ =	shalt  }
0x42: {  	_ =	shalt  }
0x43: {  	_ =	shalt  }
0x44: {  	_ =	shalt  }
0x45: {  	_ =	shalt  }
0x46: {  	_ =	shalt  }
0x47: {  	_ =	shalt  }
0x48: {  	_ =	shalt  }
0x49: {  	_ =	shalt  }
0x4a: {  	_ =	shalt  }
0x4b: {  	_ =	shalt  }
0x4c: {  	_ =	shalt  }
0x4d: {  	_ =	shalt  }
0x4e: {  	_ =	shalt  }
0x4f: {  	_ =	shalt  }
0x50: {  	_ =	shalt  }
0x51: {  	_ =	shalt  }
0x52: {  	_ =	shalt  }
0x53: {  	_ =	shalt  }
0x54: {  	_ =	shalt  }
0x55: {  	_ =	shalt  }
0x56: {  	_ =	shalt  }
0x57: {  	_ =	shalt  }
0x58: {  	_ =	shalt  }
0x59: {  	_ =	shalt  }
0x5a: {  	_ =	shalt  }
0x5b: {  	_ =	shalt  }
0x5c: {  	_ =	shalt  }
0x5d: {  	_ =	shalt  }
0x5e: {  	_ =	shalt  }
0x5f: {  	_ =	shalt  }
0x60: {  	_ =	shalt  }
0x61: {  	_ =	shalt  }
0x62: {  	_ =	shalt  }
0x63: {  	_ =	shalt  }
0x64: {  	_ =	shalt  }
0x65: {  	_ =	shalt  }
0x66: {  	_ =	shalt  }
0x67: {  	_ =	shalt  }
0x68: {  	_ =	shalt  }
0x69: {  	_ =	shalt  }
0x6a: {  	_ =	shalt  }
0x6b: {  	_ =	shalt  }
0x6c: {  	_ =	shalt  }
0x6d: {  	_ =	shalt  }
0x6e: {  	_ =	shalt  }
0x6f: {  	_ =	shalt  }
0x70: {  	_ =	shalt  }
0x71: {  	_ =	shalt  }
0x72: {  	_ =	shalt  }
0x73: {  	_ =	shalt  }
0x74: {  	_ =	shalt  }
0x75: {  	_ =	shalt  }
0x76: {  	_ =	shalt  }
0x77: {  	_ =	shalt  }
0x78: {  	_ =	shalt  }
0x79: {  	_ =	shalt  }
0x7a: {  	_ =	shalt  }
0x7b: {  	_ =	shalt  }
0x7c: {  	_ =	shalt  }
0x7d: {  	_ =	shalt  }
0x7e: {  	_ =	shalt  }
0x7f: {  	_ =	shalt  }
0x80: {  	_ =	shalt  }
0x81: {  	_ =	shalt  }
0x82: {  	_ =	shalt  }
0x83: {  	_ =	shalt  }
0x84: {  	_ =	shalt  }
0x85: {  	_ =	shalt  }
0x86: {  	_ =	shalt  }
0x87: {  	_ =	shalt  }
.Lfunc_end0:
.L_simem_size_0:
called_computation.1_lowered:
.L_overlay_start_0:
0x88: {  	s2 =	sld [smem:$0x3FD9]  }
0x89: {  	s3 =	sld [smem:$0x3FFE];
	_ =	sdelay $0x1  }
0x8a: {  	s1 =	srdreg.scid  }
0x8b: {  	s0 =	sand.u32 $0x1, s1  }
0x8c: {  	s17 =	sshll.u32 s0, $0xA;
	s2 =	sadd.s32 s3, s2  }
0x8d: {  	s2 =	sadd.s32 s2, s17  }
0x8e: {  	[smem:$0x3FC6] =	sst s2  }
0x8f: {  	_ = 	snop  }
0x90: {  	s2 =	sld [smem:$0x3FD0];
	(tm) =	ssettm $0x1  }
0x91: {  	s18 =	sld [smem:$0x3FFB];
	_ =	sdelay $0x3  }
0x92: {  	_ =	strace s18  }
0x93: {  	s3 =	sld [smem:$0x3FFC];
	_ =	sdelay $0x3  }
0x94: {  	_ =	strace s3  }
0x95: {  	s3 =	sld [smem:$0x3FFD];
	_ =	sdelay $0x3  }
0x96: {  	_ =	strace s3  }
0x97: {  	_ =	strace $0x8FFFFFFF  }
0x98: {  	s19 =	sld [smem:$0x3FDB];
	_ =	sdelay $0x1  }
0x99: {  	s4 =	simm.s32 $_scs_section_size  }
0x9a: {  	s5 =	simm.s32 $_size__tile_overlayer_lowered;
	s6 =	simm.s32 $_tile_overlayer_lowered  }
0x9b: {  	s22 =	simm.s32 $0x1BFF;
	s21 =	sshll.u32 s6, $0x1;
	s3 =	sadd.s32 s4, s19  }
0x9c: {  	s7 =	simm.s32 $0x0;
	s20 =	sshll.u32 s5, $0x1;
	s5 =	sadd.s32 s21, s3  }
0x9d: {  	[timem:s7], [sflag:s22] =	dma.local [hbm:s5], s20  }
0x9e: {  	_ =	swait.ge [sflag:s22], s20  }
0x9f: {  	s4 =	ssub.s32 $0x0, s20;
	[sflag:s22] =	ssyncset.done $0x0  }
0xa0: {  	[sflag:s22] =	ssyncadd.s32 s4;
	_ =	sdelay $0x1  }
0xa1: {  	s23 =	simm.s32 $0x1B8B  }
0xa2: {  	_ =	swait.ge [sflag:s23], $0x1  }
0xa3: {  	[sflag:s23] =	ssyncset.done $0x0  }
0xa4: {  	s25 =	simm.s32 $0x1B8E;
	s24 =	sld [smem:$0x3FFE];
	[sflag:s23] =	ssyncadd.s32 $0xFFFFFFFF  }
0xa5: {  	s26 =	simm.s32 $execute0_lowered;
	[smem:$0x3FD2] =	sst s25  }
0xa6: {  	s5 =	sshll.u32 s26, $0x1;
	_ =	strace $0x80000046;
	[dreg:$0x1] =	wrdreg $0xFFFFFFFF  }
0xa7: {  	s28 =	simm.s32 $_size_execute0_lowered;
	s3 =	sadd.s32 s3, s5;
	[dreg:$0x0] =	wrdreg $0x0  }
0xa8: {  	s5 =	sshll.u32 s28, $0x1;
	[dreg:$0x2] =	wrdreg s3  }
0xa9: {  	[dreg:$0x3] =	wrdreg s5  }
0xaa: {  	[dreg:$0x4] =	wrdreg $0xC0  }
0xab: {  	_ =	task [dreg:s7], $0x5FFFF  }
0xac: {  	[dreg:$0x1] =	wrdreg $0xFFFFFFFF  }
0xad: {  	[dreg:$0x0] =	wrdreg $0x60  }
0xae: {  	[dreg:$0x2] =	wrdreg s24  }
0xaf: {  	[dreg:$0x3] =	wrdreg s2  }
0xb0: {  	[dreg:$0x4] =	wrdreg $0x9  }
0xb1: {  	_ =	task.clear_ibuf [dreg:s7], $0x5FFFF;
	_ =	strace $0x90000046  }
0xb2: {  	s29 =	simm.s32 $0x9;
	_ =	strace $0x80000048  }
0xb3: {  	_ =	swait.ge [sflag:s29], $0x1  }
0xb4: {  	[sflag:s29] =	ssyncadd.s32 $0xFFFFFFFF  }
0xb5: {  	_ =	strace $0x90000048  }
0xb6: {  	_ =	sfence  }
0xb7: {  	s30 =	sld [smem:$0x0];
	_ =	sdelay $0x2  }
0xb8: {  	s31 =	sshll.u32 s1, $0xD;
	s1 =	sshrl.u32 s1, $0x2  }
0xb9: {  	s3 =	sand.u32 $0x4000, s31;
	s1 =	sadd.s32 s1, s30  }
0xba: {  	s0 =	sor.u32 s3, s0;
	s1 =	sshll.u32 s1, $0x11  }
0xbb: {  	s0 =	sor.u32 s1, s0  }
0xbc: {  	s0 =	sadd.s32 $0x8F2B, s0  }
0xbd: {  	[sflag:s0] =	ssyncadd.remote.s32 $0x1  }
0xbe: {  	_ =	sfence.sel $0xFFFF  }
0xbf: {  	[dreg:$0x0] =	wrdreg $0xFFFFFFFF;
	(pc) =	sbr.abs _section_cstart, $3  }
0xc0: {  	[dreg:$0x1] =	wrdreg $0xFFFFFFFF  }
0xc1: {  	_ =	task.clear_ibuf [dreg:s7], $0x2FFFF;
	_ =	strace $0x9FFFFFFF  }
0xc2: {  	(tm) =	ssettm $0x7FFFFFFF  }
0xc3: {  	_ =	shalt  }
tec
execute0_lowered:
.L_overlay_start_1:
0x0: {  	(tag) =	ssettag $0x1  }
0x1: {  	s0 =	rddreg [dreg:$0x0];
	s1 =	srdreg.scid  }
0x2: {  	s3 =	stileid.u32;
	s2 =	rddreg [dreg:$0x1]  }
0x3: {  	s9 =	simm.s32 $0x3;
	s11 =	simm.s32 $0x64;
	s13 =	simm.s32 $0x68  }
0x4: {  	s14 =	simm.s32 $0x7E00;
	s15 =	simm.s32 $0xD0;
	s16 =	simm.s32 $0xB000  }
0x5: {  	s17 =	simm.s32 $0x138;
	s18 =	simm.s32 $0xE200;
	s19 =	simm.s32 $0x1A0  }
0x6: {  	s20 =	simm.s32 $0x11400;
	s21 =	simm.s32 $0x208;
	s22 =	simm.s32 $0x14600  }
0x7: {  	s23 =	simm.s32 $0x270;
	s24 =	simm.s32 $0x17800;
	s25 =	simm.s32 $0x1  }
0x8: {  	s26 =	simm.s32 $0x2;
	s1 =	sand.u32 $0x1, s1;
	s4 =	sshll.u32 s3, $0x1  }
0x9: {  	s28 =	simm.s32 $0x0;
	s3 =	simm.s32 $0x0;
	s6 =	sor.u32 s1, s4  }
0xa: {  	[smem:$0x7FF] =	sst s3;
	s1 =	ssub.s32 $0x2, s1;
	s4 =	smul.u32 $0x340, s6  }
0xb: {  	s5 =	sadd.s32 $0xF49800, s0;
	_ =	strace $0x80000047;
	s8 =	sshrl.u32 s1, $0x1  }
0xc: {  	s6 =	sshll.u32 s6, $0x5;
	s31 =	ssub.s32 s1, s8;
	s7 =	sadd.s32 s4, s0  }
0xd: {  	s4 =	sadd.s32 $0xF4A000, s0;
	s8 =	smax.u32 s31, $0x1;
	s7 =	sadd.s32 $0xF43000, s7  }
.LBB2_1:
0xe: {  	[tilespmem:s3], [sflag:$0x3] =	stream.linear.gather [hbm4b:s7+s3], $0x1A00, $0x38;
	[tilespmem:$0x1DC00] =	vst v63  }
0xf: {  	_ =	swait.ge [sflag:s9], $0x1A00  }
0x10: {  	[sflag:s9] =	ssyncset.done $0x0  }
0x11: {  	s0 =	simm.s32 $0x1A00;
	[sflag:s9] =	ssyncadd.s32 $0xFFFFE600  }
0x12: {  	[tilespmem:s0], [sflag:$0x3] =	stream.linear.gather [hbm4b:s5+s3], $0x3200, $0x38;
	[tilespmem:$0x1DC00] =	vst v63  }
0x13: {  	_ =	swait.ge [sflag:s9], $0x3200  }
0x14: {  	[sflag:s9] =	ssyncset.done $0x0  }
0x15: {  	s31 =	simm.s32 $0x4C00;
	[sflag:s9] =	ssyncadd.s32 $0xFFFFCE00  }
0x16: {  	[tilespmem:s31], [sflag:$0x1] =	stream.indirect.gather [hbm4b:s4+s11], $0x80, s3, s11, $0xb8;
	[tilespmem:$0x1DC00] =	vst v63  }
0x17: {  	_ = 	snop  }
0x18: {  	[tilespmem:s14], [sflag:$0x1] =	stream.indirect.gather [hbm4b:s4+s11], $0x80, s13, s11, $0xb8;
	[tilespmem:$0x1DC00] =	vst v63  }
0x19: {  	_ = 	snop  }
0x1a: {  	[tilespmem:s16], [sflag:$0x1] =	stream.indirect.gather [hbm4b:s4+s11], $0x80, s15, s11, $0xb8;
	[tilespmem:$0x1DC00] =	vst v63  }
0x1b: {  	_ = 	snop  }
0x1c: {  	[tilespmem:s18], [sflag:$0x1] =	stream.indirect.gather [hbm4b:s4+s11], $0x80, s17, s11, $0xb8;
	[tilespmem:$0x1DC00] =	vst v63  }
0x1d: {  	_ = 	snop  }
0x1e: {  	[tilespmem:s20], [sflag:$0x1] =	stream.indirect.gather [hbm4b:s4+s11], $0x80, s19, s11, $0xb8;
	[tilespmem:$0x1DC00] =	vst v63  }
0x1f: {  	_ = 	snop  }
0x20: {  	[tilespmem:s22], [sflag:$0x1] =	stream.indirect.gather [hbm4b:s4+s11], $0x80, s21, s11, $0xb8;
	[tilespmem:$0x1DC00] =	vst v63  }
0x21: {  	p0 =	por $0x0, $0x0;
	s29 =	simm.s32 $0x0;
	s30 =	simm.s32 $0x0  }
0x22: {  	[tilespmem:s24], [sflag:$0x1] =	stream.indirect.gather [hbm4b:s4+s11], $0x80, s23, s11, $0xb8;
	[tilespmem:$0x1DC00] =	vst v63  }
.LBB2_2:
0x23: {  	s0 =	simm.s32 $0x1  }
0x24: {  	s0 =	simm.s32 @!p0 $0x0  }
0x25: {  	s0 =	smul.u32 $0x6400, s0  }
0x26: {  	_ =	swait.ge [sflag:s25], $0x3200  }
0x27: {  	[sflag:s25] =	ssyncset.done $0x0;
	s0 =	sshrl.u32 s0, $0x2  }
0x28: {  	[sflag:s25] =	ssyncadd.s32 $0xFFFFCE00;
	s12 =	sadd.s32 $0x1A80, s0  }
0x29: {  	s10 =	sand.u32 $0x7, s29;
	v0 =	vld [tilespmem:s12+$0xFFFFFF80]  }
0x2a: {  	s0 =	smul.u32 $0xC800, s10;
	_ =	sdelay $0x1  }
0x2b: {  	s0 =	sshrl.u32 s0, $0x2  }
0x2c: {  	s31 =	sadd.s32 $0x4DB0, s0  }
0x2d: {  	[tilespmem:s31+$0xFFFFFE50] =	vst.add.f32.msk $0xffff, v0  }
0x2e: {  	v0 =	vld [tilespmem:s12+$0xFFFFFF90];
	_ =	sdelay $0x4  }
0x2f: {  	[tilespmem:s31+$0xFFFFFE60] =	vst.add.f32.msk $0xffff, v0  }
0x30: {  	v0 =	vld [tilespmem:s12+$0xFFFFFFA0];
	_ =	sdelay $0x4  }
0x31: {  	[tilespmem:s31+$0xFFFFFE70] =	vst.add.f32.msk $0xffff, v0  }
0x32: {  	v0 =	vld [tilespmem:s12+$0xFFFFFFB0];
	_ =	sdelay $0x4  }
0x33: {  	[tilespmem:s31+$0xFFFFFE80] =	vst.add.f32.msk $0xffff, v0  }
0x34: {  	v0 =	vld [tilespmem:s12+$0xFFFFFFC0];
	_ =	sdelay $0x4  }
0x35: {  	[tilespmem:s31+$0xFFFFFED0] =	vst.add.f32.msk $0xffff, v0  }
0x36: {  	v0 =	vld [tilespmem:s12+$0xFFFFFFD0];
	_ =	sdelay $0x4  }
0x37: {  	[tilespmem:s31+$0xFFFFFEE0] =	vst.add.f32.msk $0xffff, v0  }
0x38: {  	v0 =	vld [tilespmem:s12+$0xFFFFFFE0];
	_ =	sdelay $0x4  }
0x39: {  	[tilespmem:s31+$0xFFFFFEF0] =	vst.add.f32.msk $0xffff, v0  }
0x3a: {  	v0 =	vld [tilespmem:s12+$0xFFFFFFF0];
	_ =	sdelay $0x4  }
0x3b: {  	[tilespmem:s31+$0xFFFFFF00] =	vst.add.f32.msk $0xffff, v0  }
0x3c: {  	v0 =	vld [tilespmem:s12+$0x0];
	_ =	sdelay $0x4  }
0x3d: {  	[tilespmem:s31+$0xFFFFFF50] =	vst.add.f32.msk $0xffff, v0  }
0x3e: {  	v0 =	vld [tilespmem:s12+$0x10];
	_ =	sdelay $0x4  }
0x3f: {  	[tilespmem:s31+$0xFFFFFF60] =	vst.add.f32.msk $0xffff, v0  }
0x40: {  	v0 =	vld [tilespmem:s12+$0x20];
	_ =	sdelay $0x4  }
0x41: {  	[tilespmem:s31+$0xFFFFFF70] =	vst.add.f32.msk $0xffff, v0  }
0x42: {  	v0 =	vld [tilespmem:s12+$0x30];
	_ =	sdelay $0x4  }
0x43: {  	[tilespmem:s31+$0xFFFFFF80] =	vst.add.f32.msk $0xffff, v0  }
0x44: {  	v0 =	vld [tilespmem:s12+$0x40];
	_ =	sdelay $0x4  }
0x45: {  	[tilespmem:s31+$0xFFFFFFD0] =	vst.add.f32.msk $0xffff, v0  }
0x46: {  	v0 =	vld [tilespmem:s12+$0x50];
	_ =	sdelay $0x4  }
0x47: {  	[tilespmem:s31+$0xFFFFFFE0] =	vst.add.f32.msk $0xffff, v0  }
0x48: {  	v0 =	vld [tilespmem:s12+$0x60];
	_ =	sdelay $0x4  }
0x49: {  	[tilespmem:s31+$0xFFFFFFF0] =	vst.add.f32.msk $0xffff, v0  }
0x4a: {  	v0 =	vld [tilespmem:s12+$0x70];
	_ =	sdelay $0x3  }
0x4b: {  	s10 =	simm.s32 $0x0  }
0x4c: {  	s1 =	sadd.s32 $0x4C00, s0;
	s0 =	sand.u32 $0x1, s30;
	s12 =	sadd.s32 $0x100, s12;
	[tilespmem:s31+$0x0] =	vst.add.f32.msk $0xffff, v0  }
.LBB2_3:
0x4d: {  	v0 =	vld [tilespmem:s12+$0xFFFFFF80];
	s10 =	sadd.s32 $0x4, s10  }
0x4e: {  	p1 =	slt.u32 s10, $0x60;
	_ =	sdelay $0x2  }
0x4f: {  	s31 =	sadd.s32 $0x200, s31  }
0x50: {  	[tilespmem:s31+$0xFFFFFE50] =	vst.add.f32.msk $0xffff, v0  }
0x51: {  	v0 =	vld [tilespmem:s12+$0xFFFFFF90];
	_ =	sdelay $0x4  }
0x52: {  	[tilespmem:s31+$0xFFFFFE60] =	vst.add.f32.msk $0xffff, v0  }
0x53: {  	v0 =	vld [tilespmem:s12+$0xFFFFFFA0];
	_ =	sdelay $0x4  }
0x54: {  	[tilespmem:s31+$0xFFFFFE70] =	vst.add.f32.msk $0xffff, v0  }
0x55: {  	v0 =	vld [tilespmem:s12+$0xFFFFFFB0];
	_ =	sdelay $0x4  }
0x56: {  	[tilespmem:s31+$0xFFFFFE80] =	vst.add.f32.msk $0xffff, v0  }
0x57: {  	v0 =	vld [tilespmem:s12+$0xFFFFFFC0];
	_ =	sdelay $0x4  }
0x58: {  	[tilespmem:s31+$0xFFFFFED0] =	vst.add.f32.msk $0xffff, v0  }
0x59: {  	v0 =	vld [tilespmem:s12+$0xFFFFFFD0];
	_ =	sdelay $0x4  }
0x5a: {  	[tilespmem:s31+$0xFFFFFEE0] =	vst.add.f32.msk $0xffff, v0  }
0x5b: {  	v0 =	vld [tilespmem:s12+$0xFFFFFFE0];
	_ =	sdelay $0x4  }
0x5c: {  	[tilespmem:s31+$0xFFFFFEF0] =	vst.add.f32.msk $0xffff, v0  }
0x5d: {  	v0 =	vld [tilespmem:s12+$0xFFFFFFF0];
	_ =	sdelay $0x4  }
0x5e: {  	[tilespmem:s31+$0xFFFFFF00] =	vst.add.f32.msk $0xffff, v0  }
0x5f: {  	v0 =	vld [tilespmem:s12+$0x0];
	_ =	sdelay $0x4  }
0x60: {  	[tilespmem:s31+$0xFFFFFF50] =	vst.add.f32.msk $0xffff, v0  }
0x61: {  	v0 =	vld [tilespmem:s12+$0x10];
	_ =	sdelay $0x4  }
0x62: {  	[tilespmem:s31+$0xFFFFFF60] =	vst.add.f32.msk $0xffff, v0  }
0x63: {  	v0 =	vld [tilespmem:s12+$0x20];
	_ =	sdelay $0x4  }
0x64: {  	[tilespmem:s31+$0xFFFFFF70] =	vst.add.f32.msk $0xffff, v0  }
0x65: {  	v0 =	vld [tilespmem:s12+$0x30];
	_ =	sdelay $0x4  }
0x66: {  	[tilespmem:s31+$0xFFFFFF80] =	vst.add.f32.msk $0xffff, v0  }
0x67: {  	v0 =	vld [tilespmem:s12+$0x40];
	_ =	sdelay $0x4  }
0x68: {  	[tilespmem:s31+$0xFFFFFFD0] =	vst.add.f32.msk $0xffff, v0  }
0x69: {  	v0 =	vld [tilespmem:s12+$0x50];
	_ =	sdelay $0x4  }
0x6a: {  	[tilespmem:s31+$0xFFFFFFE0] =	vst.add.f32.msk $0xffff, v0  }
0x6b: {  	v0 =	vld [tilespmem:s12+$0x60];
	_ =	sdelay $0x4  }
0x6c: {  	[tilespmem:s31+$0xFFFFFFF0] =	vst.add.f32.msk $0xffff, v0  }
0x6d: {  	v0 =	vld [tilespmem:s12+$0x70]  }
.Ltmp0:
0x6e: {  	(pc) =	sbr.rel @p1 .LBB2_3-.Ltmp0, $2  }
0x6f: {  	_ =	sdelay $0x2  }
0x70: {  	s12 =	sadd.s32 $0x100, s12;
	[tilespmem:s31+$0x0] =	vst.add.f32.msk $0xffff, v0  }
0x71: {  	s10 =	sshrl.u32 s30, $0x1  }
0x72: {  	s0 =	smul.u32 $0x1900, s0;
	s10 =	sadd.s32 s6, s10  }
0x73: {  	s10 =	smul.u32 $0x3200, s10;
	_ =	sdelay $0x1  }
0x74: {  	s0 =	sadd.s32 s0, s10  }
0x75: {  	s0 =	sshrl.u32 s0, $0x3  }
0x76: {  	s0 =	sadd.s32 s2, s0  }
0x77: {  	s12 =	sadd.s32 $0x80, s1;
	s10 =	simm.s32 $0x8;
	s31 =	sadd.s32 $0x0, s0  }
.LBB2_5:
0x78: {  	[hbm4b:s31+s3] =	stream.linear.scatter [tilespmem:s1], [sflag:$0x2], $0x40, $0x38;
	[tilespmem:$0x1DC00] =	vst v63  }
0x79: {  	s31 =	smov.u32 s10;
	s1 =	smov.u32 s12;
	p1 =	sne.s32 s10, $0x318  }
.Ltmp1:
0x7a: {  	s10 =	sadd.s32 $0x8, s10;
	(pc) =	sbr.rel @p1 .LBB2_5-.Ltmp1, $2  }
0x7b: {  	_ =	sdelay $0x2  }
0x7c: {  	s12 =	sadd.s32 $0x80, s12;
	s31 =	sadd.s32 s31, s0  }
0x7d: {  	[hbm4b:s31+s3] =	stream.linear.scatter [tilespmem:s1], [sflag:$0x2], $0x40, $0x38;
	[tilespmem:$0x1DC00] =	vst v63  }
0x7e: {  	p1 =	seq.s32 s30, $0x0  }
0x7f: {  	s0 =	simm.s32 @!p1 $0x2  }
0x80: {  	p2 =	sgt.u32 @!p1 s30, $0x38;
	_ =	swait.ge @!p1 [sflag:s0], $0x1900  }
0x81: {  	p2 =	por p1, !p2;
	[sflag:s0] =	ssyncset.done @!p1 $0x0  }
0x82: {  	[sflag:s0] =	ssyncadd.s32 @!p1 $0xFFFFE700;
	s0 =	sadd.s32 @p2 $0x7, s30  }
0x83: {  	s30 =	sadd.s32 $0x1, s30;
	s1 =	sand.u32 @p2 $0x7, s0  }
0x84: {  	p1 =	sne.s32 s30, $0x40;
	s1 =	smul.u32 @p2 $0xC800, s1  }
.Ltmp2:
0x85: {  	_ = 	snop;
	(pc) =	sbr.rel @p1 .LBB2_2-.Ltmp2, $4  }
0x86: {  	s0 =	smul.u32 @p2 $0x1A0, s0  }
0x87: {  	s29 =	sadd.s32 $0x1, s29;
	s1 =	sshrl.u32 @p2 s1, $0x2  }
0x88: {  	p0 =	por !p0, !p0;
	s0 =	sshra.s32 @p2 s0, $0x2;
	s1 =	sadd.s32 @p2 $0x4C00, s1  }
0x89: {  	[tilespmem:s1], [sflag:$0x1] =	stream.indirect.gather @p2 [hbm4b:s4+s11], $0x80, s0, s11, $0xb8;
	[tilespmem:$0x1DC00] =	vst v63  }
0x8a: {  	s28 =	sadd.s32 $0x1, s28  }
0x8b: {  	p0 =	sne.s32 s28, s8  }
.Ltmp3:
0x8c: {  	_ = 	snop;
	(pc) =	sbr.rel @p0 .LBB2_1-.Ltmp3, $4  }
0x8d: {  	_ = 	snop  }
0x8e: {  	_ =	swait.ge [sflag:s26], $0x1900  }
0x8f: {  	[sflag:s26] =	ssyncset.done $0x0  }
0x90: {  	[sflag:s26] =	ssyncadd.s32 $0xFFFFE700  }
0x91: {  	_ =	sfence.sel $0x180000  }
0x92: {  	[bflag:$0x0] =	sbarrier.arrive $0xFFFF  }
0x93: {  	_ =	strace $0x90000047  }
0x94: {  	s0 =	stileid.u32;
	[bflag:$0x2] =	sbarrier.arrive $0xFFFF  }
0x95: {  	p0 =	sne.s32 s0, $0x0;
	s0 =	rddreg [dreg:$0x2]  }
0x96: {  	s0 =	sadd.s32 @!p0 $0x100000, s0  }
0x97: {  	[sflag:s0] =	ssyncadd.tile.s32 @!p0 $0x1;
	_ =	shalt  }
.Lfunc_end2:
_tile_overlayer_lowered:
.L_overlay_start_2:
0x98: {  	(tag) =	ssettag $0x2  }
0x99: {  	s0 =	rddreg [dreg:$0x0];
	s2 =	stileid.u32  }
0x9a: {  	s1 =	rddreg [dreg:$0x1];
	p0 =	sne.s32 s2, $0x0  }
0x9b: {  	s3 =	rddreg [dreg:$0x2];
	[bflag:$0x3] =	sbarrier.arrive $0xFFFF;
	s2 =	simm.s32 @!p0 $0x1C03  }
0x9c: {  	[timem:s3], [sflag:s2] =	dma.local @!p0 [hbm:s0], s1  }
0x9d: {  	s0 =	simm.s32 @!p0 $0x3  }
0x9e: {  	_ =	swait.ge @!p0 [sflag:s0], s1  }
0x9f: {  	s1 =	ssub.s32 @!p0 $0x0, s1;
	[sflag:s0] =	ssyncset.done @!p0 $0x0  }
0xa0: {  	[sflag:s0] =	ssyncadd.s32 @!p0 s1  }
0xa1: {  	[bflag:$0x3] =	sbarrier.arrive $0xFFFF  }
0xa2: {  	_ =	shalt  }

// kernel: sparse-core-data-format-call.cloned.1.call-start
scs
called_computation_lowered:
.L_overlay_start_0:
0x0: {  	s2 =	sld [smem:$0x3FD9]  }
0x1: {  	s3 =	sld [smem:$0x3FFE];
	_ =	sdelay $0x1  }
0x2: {  	s1 =	srdreg.scid  }
0x3: {  	s0 =	sand.u32 $0x1, s1  }
0x4: {  	s18 =	sshll.u32 s0, $0xA;
	s2 =	sadd.s32 s3, s2  }
0x5: {  	s2 =	sadd.s32 s2, s18  }
0x6: {  	[smem:$0x3FC6] =	sst s2  }
0x7: {  	_ = 	snop  }
0x8: {  	s2 =	sld [smem:$0x3FD0];
	(tm) =	ssettm $0x1  }
0x9: {  	s19 =	sld [smem:$0x3FFB];
	_ =	sdelay $0x3  }
0xa: {  	_ =	strace s19  }
0xb: {  	s3 =	sld [smem:$0x3FFC];
	_ =	sdelay $0x3  }
0xc: {  	_ =	strace s3  }
0xd: {  	s3 =	sld [smem:$0x3FFD];
	_ =	sdelay $0x3  }
0xe: {  	_ =	strace s3  }
0xf: {  	_ =	strace $0x8FFFFFFF  }
0x10: {  	s20 =	sld [smem:$0x3FDB];
	_ =	sdelay $0x1  }
0x11: {  	s4 =	simm.s32 $_scs_section_size  }
0x12: {  	s5 =	simm.s32 $_size__tile_overlayer_lowered;
	s6 =	simm.s32 $_tile_overlayer_lowered  }
0x13: {  	s23 =	simm.s32 $0x1BFF;
	s22 =	sshll.u32 s6, $0x1;
	s3 =	sadd.s32 s4, s20  }
0x14: {  	s7 =	simm.s32 $0x0;
	s21 =	sshll.u32 s5, $0x1;
	s5 =	sadd.s32 s22, s3  }
0x15: {  	[timem:s7], [sflag:s23] =	dma.local [hbm:s5], s21  }
0x16: {  	_ =	swait.ge [sflag:s23], s21  }
0x17: {  	s4 =	ssub.s32 $0x0, s21;
	[sflag:s23] =	ssyncset.done $0x0  }
0x18: {  	[sflag:s23] =	ssyncadd.s32 s4;
	_ =	sdelay $0x1  }
0x19: {  	s24 =	simm.s32 $0x1B8B  }
0x1a: {  	_ =	swait.ge [sflag:s24], $0x1  }
0x1b: {  	[sflag:s24] =	ssyncset.done $0x0  }
0x1c: {  	s26 =	simm.s32 $0x1B8E;
	s25 =	sld [smem:$0x3FFE];
	[sflag:s24] =	ssyncadd.s32 $0xFFFFFFFF  }
0x1d: {  	s27 =	simm.s32 $execute0_lowered;
	[smem:$0x3FD2] =	sst s26  }
0x1e: {  	s5 =	sshll.u32 s27, $0x1;
	_ =	strace $0x80000049;
	[dreg:$0x1] =	wrdreg $0xFFFFFFFF  }
0x1f: {  	s28 =	simm.s32 $_size_execute0_lowered;
	s3 =	sadd.s32 s3, s5;
	[dreg:$0x0] =	wrdreg $0x0  }
0x20: {  	s5 =	sshll.u32 s28, $0x1;
	[dreg:$0x2] =	wrdreg s3  }
0x21: {  	[dreg:$0x3] =	wrdreg s5  }
0x22: {  	[dreg:$0x4] =	wrdreg $0xC0  }
0x23: {  	_ =	task [dreg:s7], $0x5FFFF  }
0x24: {  	[dreg:$0x1] =	wrdreg $0xFFFFFFFF  }
0x25: {  	[dreg:$0x0] =	wrdreg $0x60  }
0x26: {  	[dreg:$0x2] =	wrdreg s25  }
0x27: {  	[dreg:$0x3] =	wrdreg s2  }
0x28: {  	[dreg:$0x4] =	wrdreg $0x9  }
0x29: {  	_ =	task.clear_ibuf [dreg:s7], $0x5FFFF;
	_ =	strace $0x90000049  }
0x2a: {  	s29 =	simm.s32 $0x9;
	_ =	strace $0x8000004B  }
0x2b: {  	_ =	swait.ge [sflag:s29], $0x1  }
0x2c: {  	[sflag:s29] =	ssyncadd.s32 $0xFFFFFFFF  }
0x2d: {  	_ =	strace $0x9000004B  }
0x2e: {  	_ =	sfence  }
0x2f: {  	s30 =	sld [smem:$0x0];
	_ =	sdelay $0x2  }
0x30: {  	s31 =	sshll.u32 s1, $0xD;
	s1 =	sshrl.u32 s1, $0x2  }
0x31: {  	s3 =	sand.u32 $0x4000, s31;
	s1 =	sadd.s32 s1, s30  }
0x32: {  	s0 =	sor.u32 s3, s0;
	s1 =	sshll.u32 s1, $0x11  }
0x33: {  	s0 =	sor.u32 s1, s0  }
0x34: {  	s0 =	sadd.s32 $0x8F2B, s0  }
0x35: {  	[sflag:s0] =	ssyncadd.remote.s32 $0x1  }
0x36: {  	_ =	sfence.sel $0xFFFF  }
0x37: {  	[dreg:$0x0] =	wrdreg $0xFFFFFFFF;
	(pc) =	sbr.abs _section_cstart, $3  }
0x38: {  	[dreg:$0x1] =	wrdreg $0xFFFFFFFF  }
0x39: {  	_ =	task.clear_ibuf [dreg:s7], $0x2FFFF;
	_ =	strace $0x9FFFFFFF  }
0x3a: {  	(tm) =	ssettm $0x7FFFFFFF  }
0x3b: {  	_ =	shalt  }
tec
execute0_lowered:
.L_overlay_start_1:
0x0: {  	(tag) =	ssettag $0x1  }
0x1: {  	s0 =	stileid.u32;
	s6 =	rddreg [dreg:$0x0]  }
0x2: {  	s2 =	rddreg [dreg:$0x1];
	s5 =	srdreg.scid  }
0x3: {  	s31 =	simm.s32 $0x2;
	s13 =	simm.s32 $0x0;
	s1 =	sshll.u32 s0, $0x7  }
0x4: {  	s14 =	simm.s32 $0x0;
	s12 =	simm.s32 $0x0;
	s3 =	sand.u32 $0x380, s1  }
0x5: {  	s5 =	sshll.u32 s5, $0x4;
	s6 =	sadd.s32 $0xC00, s6;
	s4 =	ssub.s32 $0x400, s3  }
0x6: {  	s1 =	rddreg [dreg:$0x2];
	_ =	strace $0x8000004A;
	s7 =	sand.u32 $0x380, s4  }
0x7: {  	s5 =	sand.u32 $0x10, s5;
	p0 =	sne.s32 s7, $0x0;
	s7 =	simm.s32 $0x1  }
.Ltmp0:
0x8: {  	s8 =	sshrl.u32 s4, $0xA;
	s7 =	simm.s32 @!p0 $0x0;
	(pc) =	sbr.rel .LBB1_1-.Ltmp0, $4  }
0x9: {  	s9 =	sor.u32 s0, s5;
	s4 =	simm.s32 $0x1;
	s30 =	sadd.s32 s7, s8  }
0xa: {  	s11 =	smov.u32 s3;
	[sflag:s4] =	ssyncpa.u1 $0x0;
	s5 =	smul.u32 $0x32, s30  }
0xb: {  	[sflag:s31] =	ssyncpa.u1 $0x0;
	p0 =	por $0x0, $0x0;
	s7 =	sshrl.u32 s9, $0x3  }
0xc: {  	s9 =	simm.s32 $0x2000;
	s10 =	smov.u32 s7;
	s8 =	sor.u32 $0x1, s5  }
.LBB1_4:
0xd: {  	s17 =	sand.u32 $0x1F80, s14;
	s13 =	sshll.u32 s13, $0xD  }
0xe: {  	[tilespmem:s16+$0x810 ss:$0x81] =	vst.msk $0xffff, v2;
	s18 =	sshrl.u32 s14, $0x3;
	s31 =	sand.u32 $0x7, s14;
	s17 =	sadd.s32 s2, s17  }
0xf: {  	[tilespmem:s16+$0x1020 ss:$0x81] =	vst.msk $0xffff, v0;
	s18 =	sand.u32 $0xF, s18;
	s14 =	sshll.u32 s31, $0x12;
	s13 =	sadd.s32 s13, s17  }
0x10: {  	[tilespmem:s16+$0x0 ss:$0x81] =	vst.msk $0xffff, v1;
	s14 =	sor.u32 $0x400, s14;
	s13 =	sadd.s32 s18, s13  }
0x11: {  	[hbm4b:s13+s14] =	stream.strided.scatter [tilespmem:s15], [sflag:$0x2], $0x2000, s9, s14, $0x20;
	[tilespmem:$0x8080] =	vst v63  }
.LBB1_5:
0x12: {  	s15 =	sadd.s32 $0x4, s10  }
0x13: {  	s13 =	sadd.s32 $0x400, s11;
	s17 =	smov.u32 s11;
	p2 =	sgt.s32 s15, $0xC7  }
0x14: {  	s17 =	smov.u32 @p2 s13  }
0x15: {  	s15 =	smov.u32 @p2 s7;
	p2 =	sgt.s32 s17, $0x3FF  }
0x16: {  	s17 =	smov.u32 @p2 s3;
	p2 =	sne.s32 s12, s8  }
.Ltmp1:
0x17: {  	p1 =	slt.u32 s12, $0x2;
	(pc) =	sbr.rel @!p2 .LBB1_6-.Ltmp1, $4  }
0x18: {  	s16 =	simm.s32 @!p1 $0x2  }
0x19: {  	s14 =	smov.u32 s11;
	p0 =	por !p0, !p0;
	_ =	swait.ge @!p1 [sflag:s16], $0x2000  }
0x1a: {  	s13 =	smov.u32 s10;
	[sflag:s16] =	ssyncset.done @!p1 $0x0;
	s10 =	smov.u32 s15  }
0x1b: {  	s12 =	sadd.s32 $0x1, s12;
	[sflag:s16] =	ssyncadd.s32 @!p1 $0xFFFFE000;
	s11 =	smov.u32 s17  }
.LBB1_1:
0x1c: {  	p1 =	sge.u32 s12, s5  }
0x1d: {  	s15 =	sand.u32 @!p1 $0x1FFFFFF, s10  }
0x1e: {  	s16 =	smulhi.u32 @!p1 $0x147AE15, s15;
	_ =	sdelay $0x1  }
0x1f: {  	s16 =	smul.u32 @!p1 $0xC8, s16  }
0x20: {  	s17 =	sxor.u32 @!p1 $0xFFFFFFFF, s12;
	s18 =	smul.u32 @!p1 $0xC80, s11  }
0x21: {  	s31 =	sadd.s32 $0xFFFFFFFF, s12;
	s17 =	sshll.u32 @!p1 s17, $0xD;
	s15 =	ssub.s32 @!p1 s15, s16  }
0x22: {  	s16 =	sand.u32 @!p1 $0x2000, s17;
	s17 =	sadd.s32 @!p1 s6, s18;
	s15 =	sshll.u32 @!p1 s15, $0x4  }
0x23: {  	s18 =	simm.s32 @!p1 $0x6400;
	s15 =	sadd.s32 @!p1 s15, s17;
	s17 =	simm.s32 @!p1 $0x40  }
0x24: {  	[tilespmem:s16], [sflag:$0x1] =	stream.strided.gather @!p1 [hbm4b:s15+s17], $0x2000, s18, s17, $0x38;
	[tilespmem:$0x8080] =	vst v63  }
0x25: {  	p1 =	sge.u32 s31, s5  }
.Ltmp2:
0x26: {  	_ = 	snop;
	(pc) =	sbr.rel @p1 .LBB1_5-.Ltmp2, $1  }
0x27: {  	_ =	sdelay $0x3  }
0x28: {  	s15 =	simm.s32 $0x1  }
0x29: {  	_ =	swait.ge [sflag:s4], $0x2000;
	s15 =	simm.s32 @!p0 $0x0  }
0x2a: {  	[sflag:s4] =	ssyncset.done $0x0;
	s16 =	sshll.u32 s15, $0xD  }
0x2b: {  	[sflag:s4] =	ssyncadd.s32 $0xFFFFE000;
	s19 =	sor.u32 $0x20, s16  }
0x2c: {  	s15 =	smul.u32 $0x8100, s15;
	v3 =	vld [tilespmem:s19+$0x10]  }
0x2d: {  	s30 =	sand.u32 $0x1, s12;
	v2 =	vld [tilespmem:s19+$0xFFFFFFF0]  }
0x2e: {  	s16 =	smul.u32 $0x8100, s30;
	s15 =	sshrl.u32 s15, $0x2;
	v0 =	vld [tilespmem:s19+$0x0]  }
0x2f: {  	v1 =	vld [tilespmem:s19+$0xFFFFFFE0];
	s17 =	sor.u32 $0x4000, s15  }
0x30: {  	s31 =	sshrl.u32 s16, $0x2;
	s16 =	sadd.s32 $0x0, s17  }
0x31: {  	s18 =	simm.s32 $0x4;
	s19 =	sadd.s32 $0x40, s19;
	s15 =	sor.u32 $0x4000, s31;
	[tilespmem:s16+$0x1830 ss:$0x81] =	vst.msk $0xffff, v3  }
.LBB1_3:
0x32: {  	v3 =	vld [tilespmem:s19+$0x10];
	p1 =	sne.s32 s18, $0x1FC;
	[tilespmem:s16+$0x810 ss:$0x81] =	vst.msk $0xffff, v2;
	s20 =	smov.u32 s18;
	s18 =	sadd.s32 $0x4, s18  }
.Ltmp3:
0x33: {  	v2 =	vld [tilespmem:s19+$0xFFFFFFF0];
	[tilespmem:s16+$0x1020 ss:$0x81] =	vst.msk $0xffff, v0;
	(pc) =	sbr.rel @p1 .LBB1_3-.Ltmp3, $4  }
0x34: {  	v0 =	vld [tilespmem:s19+$0x0];
	[tilespmem:s16+$0x0 ss:$0x81] =	vst.msk $0xffff, v1  }
0x35: {  	s16 =	sshra.s32 s20, $0x2;
	v1 =	vld [tilespmem:s19+$0xFFFFFFE0]  }
0x36: {  	s16 =	sadd.s32 s16, s17  }
0x37: {  	s19 =	sadd.s32 $0x40, s19;
	[tilespmem:s16+$0x1830 ss:$0x81] =	vst.msk $0xffff, v3  }
.Ltmp4:
0x38: {  	_ = 	snop;
	(pc) =	sbr.rel .LBB1_4-.Ltmp4, $1  }
0x39: {  	_ =	sdelay $0x3  }
.LBB1_6:
0x3a: {  	_ =	sfence.sel $0x180000  }
0x3b: {  	s2 =	simm.s32 $0x1;
	[bflag:$0x0] =	sbarrier.arrive $0xFFFF  }
0x3c: {  	s31 =	simm.s32 $0x2;
	[sflag:s2] =	ssyncpa.u1 $0x1  }
0x3d: {  	[sflag:s31] =	ssyncpa.u1 $0x1  }
0x3e: {  	p0 =	sne.s32 s0, $0x0;
	_ =	strace $0x9000004A  }
0x3f: {  	s0 =	sadd.s32 @!p0 $0x100000, s1;
	[bflag:$0x2] =	sbarrier.arrive $0xFFFF  }
0x40: {  	[sflag:s0] =	ssyncadd.tile.s32 @!p0 $0x1;
	_ =	shalt  }
.Lfunc_end1:
_tile_overlayer_lowered:
.L_overlay_start_2:
0x41: {  	(tag) =	ssettag $0x2  }
0x42: {  	s0 =	rddreg [dreg:$0x0];
	s2 =	stileid.u32  }
0x43: {  	s1 =	rddreg [dreg:$0x1];
	p0 =	sne.s32 s2, $0x0  }
0x44: {  	s3 =	rddreg [dreg:$0x2];
	[bflag:$0x3] =	sbarrier.arrive $0xFFFF;
	s2 =	simm.s32 @!p0 $0x1C01  }
0x45: {  	[timem:s3], [sflag:s2] =	dma.local @!p0 [hbm:s0], s1  }
0x46: {  	s0 =	simm.s32 @!p0 $0x1  }
0x47: {  	_ =	swait.ge @!p0 [sflag:s0], s1  }
0x48: {  	s1 =	ssub.s32 @!p0 $0x0, s1;
	[sflag:s0] =	ssyncset.done @!p0 $0x0  }
0x49: {  	[sflag:s0] =	ssyncadd.s32 @!p0 s1  }
0x4a: {  	[bflag:$0x3] =	sbarrier.arrive $0xFFFF  }
0x4b: {  	_ =	shalt  }

</sc_bundles>
